<compile_context>
chip_gen: v7x
topology: tpu7x:2x2x1
jax: 0.10.2.dev20260603
libtpu: 0.0.44.dev20260713+nightly
codegen_flags: <defaults>
</compile_context>

<pallas_src>
import jax
import jax.numpy as jnp
from jax import lax
from jax.experimental import pallas as pl
from jax.experimental.pallas import tpu as pltpu
from jax.experimental.pallas import tpu_sc as plsc

_S = 64.0
_RSC = 40
_NW = 32
_NCHUNK = 2500
_B = 1024


def _sc_body(cos_hbm, out_hbm, buf):
    wid = lax.axis_index("s") * 2 + lax.axis_index("c")
    nk = (_NCHUNK - wid + _NW - 1) // _NW

    def chunk_body(k, carry):
        r0 = (wid + k * _NW) * _RSC
        pltpu.sync_copy(cos_hbm.at[pl.ds(r0, _RSC)], buf)

        def row_body(r, carry2):
            for g in range(_B // 16):
                buf[r, pl.ds(g * 16, 16)] = buf[r, pl.ds(g * 16, 16)] * _S
            return carry2

        lax.fori_loop(0, _RSC, row_body, 0)
        pltpu.sync_copy(buf, out_hbm.at[pl.ds(r0, _RSC)])
        return carry

    lax.fori_loop(0, nk, chunk_body, 0)


def kernel(cosine, label):
    batch, num_classes = cosine.shape
    cos_t = cosine.T
    mesh = plsc.VectorSubcoreMesh(core_axis_name="c", subcore_axis_name="s")
    out_t = pl.kernel(
        _sc_body,
        out_type=jax.ShapeDtypeStruct((num_classes, batch), cosine.dtype),
        mesh=mesh,
        scratch_types=[pltpu.VMEM((_RSC, _B), jnp.float32)],
        compiler_params=pltpu.CompilerParams(use_tc_tiling_on_sc=True),
    )(cos_t)
    return out_t.T

# --- scband reference (transcript-rebuilt; emitter-appended) ---
"""Pipeline reference for scband-margin-softmax-9242769622196 (READ-ONLY COPY).

The authoritative reference and input builder live on the scoring server;
editing this copy changes nothing except your own understanding.
"""

import jax, jax.numpy as jnp
import numpy as np

S = 64.0
M = 0.4
NUM_CLASSES = 100000
BATCH = 1024

def setup_inputs(seed: int = 0) -> dict:
    key = jax.random.key(seed)
    k1, k2 = jax.random.split(key)
    cosine = jax.random.normal(k1, (BATCH, NUM_CLASSES), dtype=jnp.float32)
    label = jax.random.randint(k2, (BATCH,), 0, NUM_CLASSES, dtype=jnp.int64 if jax.config.jax_enable_x64 else jnp.int32)
    return {"cosine": cosine, "label": label}

def reference(cosine, label):
    # index = torch.where(label != -1)[0]; rows with label == -1 get no margin
    valid = (label != -1)
    num_classes = cosine.shape[1]
    # m_hot: one-hot margin of M at the label column, only for valid rows
    # scatter_(1, label[index, None], m) -> equivalent to .at[rows, label].add? torch scatter_ overwrites,
    # but m_hot starts at zeros so set == add here; we build via one_hot which is faithful.
    one_hot = jax.nn.one_hot(label, num_classes, dtype=cosine.dtype)
    m_hot = jnp.where(valid[:, None], one_hot * M, jnp.zeros_like(one_hot))
    # cosine[index] -= m_hot  (in-place in torch; functional here)
    adjusted = cosine - m_hot
    ret = adjusted * S
    return ret

if __name__ == "__main__":
    import jax
    _d = setup_inputs()
    print(jax.jit(kernel)(*tuple(_d.values())))

</pallas_src>

<mosaic_0001>
#map = affine_map<(d0, d1) -> (0, 0)>
module attributes {stable_mosaic.version = 14 : i64} {
  func.func @_sc_body(%arg0: i32, %arg1: i32, %arg2: memref<100000x1024xf32, #tpu.memory_space<hbm>>, %arg3: memref<100000x1024xf32, #tpu.memory_space<hbm>>, %arg4: memref<40x1024xf32, #tpu.memory_space<vmem>>) attributes {dimension_semantics = [#tpu.dimension_semantics<core_parallel>, #tpu.dimension_semantics<subcore_parallel>], iteration_bounds = array<i64: 2, 16>, scalar_prefetch = 0 : i64, scratch_operands = 1 : i64, tpu.core_type = #tpu.core_type<sc_vector_subcore>, window_params = [{transform_indices = #map}, {transform_indices = #map}]} {
    %mul3A = arith.constant 2 : i32
    %mul3A_0 = arith.muli %arg1, %mul3A : i32
    %add3A = arith.addi %mul3A_0, %arg0 : i32
    %sub3A = arith.constant 2500 : i32
    %sub3A_1 = arith.subi %sub3A, %add3A : i32
    %add3A_2 = arith.constant 32 : i32
    %add3A_3 = arith.addi %sub3A_1, %add3A_2 : i32
    %sub3A_4 = arith.constant 1 : i32
    %sub3A_5 = arith.subi %add3A_3, %sub3A_4 : i32
    %jit3A = arith.constant 32 : i32
    %div3A = arith.divsi %sub3A_5, %jit3A : i32
    %sign3A = arith.constant 0 : i32
    %sign3A_6 = arith.cmpi sgt, %sub3A_5, %sign3A : i32
    %sign3A_7 = arith.extui %sign3A_6 : i1 to i32
    %sign3A_8 = arith.constant 0 : i32
    %sign3A_9 = arith.cmpi slt, %sub3A_5, %sign3A_8 : i32
    %sign3A_10 = arith.extui %sign3A_9 : i1 to i32
    %sign3A_11 = arith.subi %sign3A_7, %sign3A_10 : i32
    %sign3A_12 = arith.constant 0 : i32
    %sign3A_13 = arith.cmpi sgt, %jit3A, %sign3A_12 : i32
    %sign3A_14 = arith.extui %sign3A_13 : i1 to i32
    %sign3A_15 = arith.constant 0 : i32
    %sign3A_16 = arith.cmpi slt, %jit3A, %sign3A_15 : i32
    %sign3A_17 = arith.extui %sign3A_16 : i1 to i32
    %sign3A_18 = arith.subi %sign3A_14, %sign3A_17 : i32
    %ne3A = arith.cmpi ne, %sign3A_11, %sign3A_18 : i32
    %rem3A = arith.remsi %sub3A_5, %jit3A : i32
    %ne3A_19 = arith.constant 0 : i32
    %ne3A_20 = arith.cmpi ne, %rem3A, %ne3A_19 : i32
    %and3A = arith.andi %ne3A, %ne3A_20 : i1
    %sub3A_21 = arith.constant 1 : i32
    %sub3A_22 = arith.subi %div3A, %sub3A_21 : i32
    %select_n3A = arith.select %and3A, %sub3A_22, %div3A : i32
    %while3A = arith.constant 0 : i32
    %while3A_23 = arith.constant 0 : i32
    %while3A_24 = arith.subi %select_n3A, %while3A_23 : i32
    %while3A_25 = arith.addi %while3A_23, %while3A_24 : i32
    %while3A_26 = arith.constant 1 : i32
    %while3A_27 = arith.divsi %while3A_24, %while3A_26 : i32
    %while3A_28 = arith.muli %while3A_27, %while3A_26 : i32
    %while3A_29 = arith.addi %while3A_23, %while3A_28 : i32
    %while3A_30 = arith.constant 1 : i32
    scf.for %while3A_32 = %while3A_23 to %while3A_29 step %while3A_30  : i32 {
      %mul3A_33 = arith.constant 32 : i32
      %mul3A_34 = arith.muli %while3A_32, %mul3A_33 : i32
      %add3A_35 = arith.addi %add3A, %mul3A_34 : i32
      %mul3A_36 = arith.constant 40 : i32
      %mul3A_37 = arith.muli %add3A_35, %mul3A_36 : i32
      "tpu.region"() ({
        %run_scoped3A = tpu.sem_alloc : memref<!tpu.dma_semaphore, #tpu.memory_space<semaphore_mem>>
        %dma_start3A = arith.constant 0 : i32
        %dma_start3A_43 = tpu.memref_slice %arg2[%mul3A_37, %dma_start3A] : memref<100000x1024xf32, #tpu.memory_space<hbm>> -> memref<40x1024xf32, #tpu.memory_space<hbm>>
        %dma_start3A_44 = arith.constant 0 : i32
        %dma_start3A_45 = tpu.memref_slice %arg2[%mul3A_37, %dma_start3A_44] : memref<100000x1024xf32, #tpu.memory_space<hbm>> -> memref<40x1024xf32, #tpu.memory_space<hbm>>
        tpu.enqueue_dma source(%dma_start3A_45 : memref<40x1024xf32, #tpu.memory_space<hbm>>) target(%arg4 : memref<40x1024xf32, #tpu.memory_space<vmem>>) target_semaphore(%run_scoped3A : memref<!tpu.dma_semaphore, #tpu.memory_space<semaphore_mem>>)
        %dma_wait3A = arith.constant 0 : i32
        %dma_wait3A_46 = tpu.memref_slice %arg2[%mul3A_37, %dma_wait3A] : memref<100000x1024xf32, #tpu.memory_space<hbm>> -> memref<40x1024xf32, #tpu.memory_space<hbm>>
        %dma_wait3A_47 = arith.constant 0 : i32
        %dma_wait3A_48 = tpu.memref_slice %arg2[%mul3A_37, %dma_wait3A_47] : memref<100000x1024xf32, #tpu.memory_space<hbm>> -> memref<40x1024xf32, #tpu.memory_space<hbm>>
        tpu.wait_dma2 semaphore(%run_scoped3A : memref<!tpu.dma_semaphore, #tpu.memory_space<semaphore_mem>>) src(%dma_wait3A_48 : memref<40x1024xf32, #tpu.memory_space<hbm>>) dst(%arg4 : memref<40x1024xf32, #tpu.memory_space<vmem>>)
        tpu.yield
      }) : () -> ()
      %scan3A = arith.constant 0 : i32
      %scan3A_38 = arith.constant 0 : i32
      %scan3A_39 = arith.constant 40 : i32
      %scan3A_40 = arith.addi %scan3A_38, %scan3A_39 : i32
      %scan3A_41 = arith.constant 1 : i32
      scf.for %scan3A_43 = %scan3A_38 to %scan3A_40 step %scan3A_41  : i32 {
        %get3A = arith.index_cast %scan3A_43 : i32 to index
        %get3A_44 = arith.constant 0 : index
        %get3A_45 = tpu.vector_load %arg4[%get3A, %get3A_44] {strides = array<i32>} : memref<40x1024xf32, #tpu.memory_space<vmem>>, vector<1x16xf32>,
        %get3A_46 = vector.shape_cast %get3A_45 : vector<1x16xf32> to vector<16xf32>
        %mul3A_47 = arith.constant 6.400000e+01 : f32
        %mul3A_48 = vector.broadcast %mul3A_47 : f32 to vector<16xf32>
        %mul3A_49 = arith.mulf %get3A_46, %mul3A_48 : vector<16xf32>
        %swap3A = arith.index_cast %scan3A_43 : i32 to index
        %swap3A_50 = arith.constant 0 : index
        %swap3A_51 = tpu.vector_load %arg4[%swap3A, %swap3A_50] {strides = array<i32>} : memref<40x1024xf32, #tpu.memory_space<vmem>>, vector<1x16xf32>,
        %swap3A_52 = vector.shape_cast %swap3A_51 : vector<1x16xf32> to vector<16xf32>
        %swap3A_53 = vector.shape_cast %mul3A_49 : vector<16xf32> to vector<1x16xf32>
        tpu.vector_store %arg4[%swap3A, %swap3A_50], %swap3A_53 {strides = array<i32>} : memref<40x1024xf32, #tpu.memory_space<vmem>>, vector<1x16xf32>,
        %get3A_54 = arith.index_cast %scan3A_43 : i32 to index
        %get3A_55 = arith.constant 16 : index
        %get3A_56 = tpu.vector_load %arg4[%get3A_54, %get3A_55] {strides = array<i32>} : memref<40x1024xf32, #tpu.memory_space<vmem>>, vector<1x16xf32>,
        %get3A_57 = vector.shape_cast %get3A_56 : vector<1x16xf32> to vector<16xf32>
        %mul3A_58 = arith.constant 6.400000e+01 : f32
        %mul3A_59 = vector.broadcast %mul3A_58 : f32 to vector<16xf32>
        %mul3A_60 = arith.mulf %get3A_57, %mul3A_59 : vector<16xf32>
        %swap3A_61 = arith.index_cast %scan3A_43 : i32 to index
        %swap3A_62 = arith.constant 16 : index
        %swap3A_63 = tpu.vector_load %arg4[%swap3A_61, %swap3A_62] {strides = array<i32>} : memref<40x1024xf32, #tpu.memory_space<vmem>>, vector<1x16xf32>,
        %swap3A_64 = vector.shape_cast %swap3A_63 : vector<1x16xf32> to vector<16xf32>
        %swap3A_65 = vector.shape_cast %mul3A_60 : vector<16xf32> to vector<1x16xf32>
        tpu.vector_store %arg4[%swap3A_61, %swap3A_62], %swap3A_65 {strides = array<i32>} : memref<40x1024xf32, #tpu.memory_space<vmem>>, vector<1x16xf32>,
        %get3A_66 = arith.index_cast %scan3A_43 : i32 to index
        %get3A_67 = arith.constant 32 : index
        %get3A_68 = tpu.vector_load %arg4[%get3A_66, %get3A_67] {strides = array<i32>} : memref<40x1024xf32, #tpu.memory_space<vmem>>, vector<1x16xf32>,
        %get3A_69 = vector.shape_cast %get3A_68 : vector<1x16xf32> to vector<16xf32>
        %mul3A_70 = arith.constant 6.400000e+01 : f32
        %mul3A_71 = vector.broadcast %mul3A_70 : f32 to vector<16xf32>
        %mul3A_72 = arith.mulf %get3A_69, %mul3A_71 : vector<16xf32>
        %swap3A_73 = arith.index_cast %scan3A_43 : i32 to index
        %swap3A_74 = arith.constant 32 : index
        %swap3A_75 = tpu.vector_load %arg4[%swap3A_73, %swap3A_74] {strides = array<i32>} : memref<40x1024xf32, #tpu.memory_space<vmem>>, vector<1x16xf32>,
        %swap3A_76 = vector.shape_cast %swap3A_75 : vector<1x16xf32> to vector<16xf32>
        %swap3A_77 = vector.shape_cast %mul3A_72 : vector<16xf32> to vector<1x16xf32>
        tpu.vector_store %arg4[%swap3A_73, %swap3A_74], %swap3A_77 {strides = array<i32>} : memref<40x1024xf32, #tpu.memory_space<vmem>>, vector<1x16xf32>,
        %get3A_78 = arith.index_cast %scan3A_43 : i32 to index
        %get3A_79 = arith.constant 48 : index
        %get3A_80 = tpu.vector_load %arg4[%get3A_78, %get3A_79] {strides = array<i32>} : memref<40x1024xf32, #tpu.memory_space<vmem>>, vector<1x16xf32>,
        %get3A_81 = vector.shape_cast %get3A_80 : vector<1x16xf32> to vector<16xf32>
        %mul3A_82 = arith.constant 6.400000e+01 : f32
        %mul3A_83 = vector.broadcast %mul3A_82 : f32 to vector<16xf32>
        %mul3A_84 = arith.mulf %get3A_81, %mul3A_83 : vector<16xf32>
        %swap3A_85 = arith.index_cast %scan3A_43 : i32 to index
        %swap3A_86 = arith.constant 48 : index
        %swap3A_87 = tpu.vector_load %arg4[%swap3A_85, %swap3A_86] {strides = array<i32>} : memref<40x1024xf32, #tpu.memory_space<vmem>>, vector<1x16xf32>,
        %swap3A_88 = vector.shape_cast %swap3A_87 : vector<1x16xf32> to vector<16xf32>
        %swap3A_89 = vector.shape_cast %mul3A_84 : vector<16xf32> to vector<1x16xf32>
        tpu.vector_store %arg4[%swap3A_85, %swap3A_86], %swap3A_89 {strides = array<i32>} : memref<40x1024xf32, #tpu.memory_space<vmem>>, vector<1x16xf32>,
        %get3A_90 = arith.index_cast %scan3A_43 : i32 to index
        %get3A_91 = arith.constant 64 : index
        %get3A_92 = tpu.vector_load %arg4[%get3A_90, %get3A_91] {strides = array<i32>} : memref<40x1024xf32, #tpu.memory_space<vmem>>, vector<1x16xf32>,
        %get3A_93 = vector.shape_cast %get3A_92 : vector<1x16xf32> to vector<16xf32>
        %mul3A_94 = arith.constant 6.400000e+01 : f32
        %mul3A_95 = vector.broadcast %mul3A_94 : f32 to vector<16xf32>
        %mul3A_96 = arith.mulf %get3A_93, %mul3A_95 : vector<16xf32>
        %swap3A_97 = arith.index_cast %scan3A_43 : i32 to index
        %swap3A_98 = arith.constant 64 : index
        %swap3A_99 = tpu.vector_load %arg4[%swap3A_97, %swap3A_98] {strides = array<i32>} : memref<40x1024xf32, #tpu.memory_space<vmem>>, vector<1x16xf32>,
        %swap3A_100 = vector.shape_cast %swap3A_99 : vector<1x16xf32> to vector<16xf32>
        %swap3A_101 = vector.shape_cast %mul3A_96 : vector<16xf32> to vector<1x16xf32>
        tpu.vector_store %arg4[%swap3A_97, %swap3A_98], %swap3A_101 {strides = array<i32>} : memref<40x1024xf32, #tpu.memory_space<vmem>>, vector<1x16xf32>,
        %get3A_102 = arith.index_cast %scan3A_43 : i32 to index
        %get3A_103 = arith.constant 80 : index
        %get3A_104 = tpu.vector_load %arg4[%get3A_102, %get3A_103] {strides = array<i32>} : memref<40x1024xf32, #tpu.memory_space<vmem>>, vector<1x16xf32>,
        %get3A_105 = vector.shape_cast %get3A_104 : vector<1x16xf32> to vector<16xf32>
        %mul3A_106 = arith.constant 6.400000e+01 : f32
        %mul3A_107 = vector.broadcast %mul3A_106 : f32 to vector<16xf32>
        %mul3A_108 = arith.mulf %get3A_105, %mul3A_107 : vector<16xf32>
        %swap3A_109 = arith.index_cast %scan3A_43 : i32 to index
        %swap3A_110 = arith.constant 80 : index
        %swap3A_111 = tpu.vector_load %arg4[%swap3A_109, %swap3A_110] {strides = array<i32>} : memref<40x1024xf32, #tpu.memory_space<vmem>>, vector<1x16xf32>,
        %swap3A_112 = vector.shape_cast %swap3A_111 : vector<1x16xf32> to vector<16xf32>
        %swap3A_113 = vector.shape_cast %mul3A_108 : vector<16xf32> to vector<1x16xf32>
        tpu.vector_store %arg4[%swap3A_109, %swap3A_110], %swap3A_113 {strides = array<i32>} : memref<40x1024xf32, #tpu.memory_space<vmem>>, vector<1x16xf32>,
        %get3A_114 = arith.index_cast %scan3A_43 : i32 to index
        %get3A_115 = arith.constant 96 : index
        %get3A_116 = tpu.vector_load %arg4[%get3A_114, %get3A_115] {strides = array<i32>} : memref<40x1024xf32, #tpu.memory_space<vmem>>, vector<1x16xf32>,
        %get3A_117 = vector.shape_cast %get3A_116 : vector<1x16xf32> to vector<16xf32>
        %mul3A_118 = arith.constant 6.400000e+01 : f32
        %mul3A_119 = vector.broadcast %mul3A_118 : f32 to vector<16xf32>
        %mul3A_120 = arith.mulf %get3A_117, %mul3A_119 : vector<16xf32>
        %swap3A_121 = arith.index_cast %scan3A_43 : i32 to index
        %swap3A_122 = arith.constant 96 : index
        %swap3A_123 = tpu.vector_load %arg4[%swap3A_121, %swap3A_122] {strides = array<i32>} : memref<40x1024xf32, #tpu.memory_space<vmem>>, vector<1x16xf32>,
        %swap3A_124 = vector.shape_cast %swap3A_123 : vector<1x16xf32> to vector<16xf32>
        %swap3A_125 = vector.shape_cast %mul3A_120 : vector<16xf32> to vector<1x16xf32>
        tpu.vector_store %arg4[%swap3A_121, %swap3A_122], %swap3A_125 {strides = array<i32>} : memref<40x1024xf32, #tpu.memory_space<vmem>>, vector<1x16xf32>,
        %get3A_126 = arith.index_cast %scan3A_43 : i32 to index
        %get3A_127 = arith.constant 112 : index
        %get3A_128 = tpu.vector_load %arg4[%get3A_126, %get3A_127] {strides = array<i32>} : memref<40x1024xf32, #tpu.memory_space<vmem>>, vector<1x16xf32>,
        %get3A_129 = vector.shape_cast %get3A_128 : vector<1x16xf32> to vector<16xf32>
        %mul3A_130 = arith.constant 6.400000e+01 : f32
        %mul3A_131 = vector.broadcast %mul3A_130 : f32 to vector<16xf32>
        %mul3A_132 = arith.mulf %get3A_129, %mul3A_131 : vector<16xf32>
        %swap3A_133 = arith.index_cast %scan3A_43 : i32 to index
        %swap3A_134 = arith.constant 112 : index
        %swap3A_135 = tpu.vector_load %arg4[%swap3A_133, %swap3A_134] {strides = array<i32>} : memref<40x1024xf32, #tpu.memory_space<vmem>>, vector<1x16xf32>,
        %swap3A_136 = vector.shape_cast %swap3A_135 : vector<1x16xf32> to vector<16xf32>
        %swap3A_137 = vector.shape_cast %mul3A_132 : vector<16xf32> to vector<1x16xf32>
        tpu.vector_store %arg4[%swap3A_133, %swap3A_134], %swap3A_137 {strides = array<i32>} : memref<40x1024xf32, #tpu.memory_space<vmem>>, vector<1x16xf32>,
        %get3A_138 = arith.index_cast %scan3A_43 : i32 to index
        %get3A_139 = arith.constant 128 : index
        %get3A_140 = tpu.vector_load %arg4[%get3A_138, %get3A_139] {strides = array<i32>} : memref<40x1024xf32, #tpu.memory_space<vmem>>, vector<1x16xf32>,
        %get3A_141 = vector.shape_cast %get3A_140 : vector<1x16xf32> to vector<16xf32>
        %mul3A_142 = arith.constant 6.400000e+01 : f32
        %mul3A_143 = vector.broadcast %mul3A_142 : f32 to vector<16xf32>
        %mul3A_144 = arith.mulf %get3A_141, %mul3A_143 : vector<16xf32>
        %swap3A_145 = arith.index_cast %scan3A_43 : i32 to index
        %swap3A_146 = arith.constant 128 : index
        %swap3A_147 = tpu.vector_load %arg4[%swap3A_145, %swap3A_146] {strides = array<i32>} : memref<40x1024xf32, #tpu.memory_space<vmem>>, vector<1x16xf32>,
        %swap3A_148 = vector.shape_cast %swap3A_147 : vector<1x16xf32> to vector<16xf32>
        %swap3A_149 = vector.shape_cast %mul3A_144 : vector<16xf32> to vector<1x16xf32>
        tpu.vector_store %arg4[%swap3A_145, %swap3A_146], %swap3A_149 {strides = array<i32>} : memref<40x1024xf32, #tpu.memory_space<vmem>>, vector<1x16xf32>,
        %get3A_150 = arith.index_cast %scan3A_43 : i32 to index
        %get3A_151 = arith.constant 144 : index
        %get3A_152 = tpu.vector_load %arg4[%get3A_150, %get3A_151] {strides = array<i32>} : memref<40x1024xf32, #tpu.memory_space<vmem>>, vector<1x16xf32>,
        %get3A_153 = vector.shape_cast %get3A_152 : vector<1x16xf32> to vector<16xf32>
        %mul3A_154 = arith.constant 6.400000e+01 : f32
        %mul3A_155 = vector.broadcast %mul3A_154 : f32 to vector<16xf32>
        %mul3A_156 = arith.mulf %get3A_153, %mul3A_155 : vector<16xf32>
        %swap3A_157 = arith.index_cast %scan3A_43 : i32 to index
        %swap3A_158 = arith.constant 144 : index
        %swap3A_159 = tpu.vector_load %arg4[%swap3A_157, %swap3A_158] {strides = array<i32>} : memref<40x1024xf32, #tpu.memory_space<vmem>>, vector<1x16xf32>,
        %swap3A_160 = vector.shape_cast %swap3A_159 : vector<1x16xf32> to vector<16xf32>
        %swap3A_161 = vector.shape_cast %mul3A_156 : vector<16xf32> to vector<1x16xf32>
        tpu.vector_store %arg4[%swap3A_157, %swap3A_158], %swap3A_161 {strides = array<i32>} : memref<40x1024xf32, #tpu.memory_space<vmem>>, vector<1x16xf32>,
        %get3A_162 = arith.index_cast %scan3A_43 : i32 to index
        %get3A_163 = arith.constant 160 : index
        %get3A_164 = tpu.vector_load %arg4[%get3A_162, %get3A_163] {strides = array<i32>} : memref<40x1024xf32, #tpu.memory_space<vmem>>, vector<1x16xf32>,
        %get3A_165 = vector.shape_cast %get3A_164 : vector<1x16xf32> to vector<16xf32>
        %mul3A_166 = arith.constant 6.400000e+01 : f32
        %mul3A_167 = vector.broadcast %mul3A_166 : f32 to vector<16xf32>
        %mul3A_168 = arith.mulf %get3A_165, %mul3A_167 : vector<16xf32>
        %swap3A_169 = arith.index_cast %scan3A_43 : i32 to index
        %swap3A_170 = arith.constant 160 : index
        %swap3A_171 = tpu.vector_load %arg4[%swap3A_169, %swap3A_170] {strides = array<i32>} : memref<40x1024xf32, #tpu.memory_space<vmem>>, vector<1x16xf32>,
        %swap3A_172 = vector.shape_cast %swap3A_171 : vector<1x16xf32> to vector<16xf32>
        %swap3A_173 = vector.shape_cast %mul3A_168 : vector<16xf32> to vector<1x16xf32>
        tpu.vector_store %arg4[%swap3A_169, %swap3A_170], %swap3A_173 {strides = array<i32>} : memref<40x1024xf32, #tpu.memory_space<vmem>>, vector<1x16xf32>,
        %get3A_174 = arith.index_cast %scan3A_43 : i32 to index
        %get3A_175 = arith.constant 176 : index
        %get3A_176 = tpu.vector_load %arg4[%get3A_174, %get3A_175] {strides = array<i32>} : memref<40x1024xf32, #tpu.memory_space<vmem>>, vector<1x16xf32>,
        %get3A_177 = vector.shape_cast %get3A_176 : vector<1x16xf32> to vector<16xf32>
        %mul3A_178 = arith.constant 6.400000e+01 : f32
        %mul3A_179 = vector.broadcast %mul3A_178 : f32 to vector<16xf32>
        %mul3A_180 = arith.mulf %get3A_177, %mul3A_179 : vector<16xf32>
        %swap3A_181 = arith.index_cast %scan3A_43 : i32 to index
        %swap3A_182 = arith.constant 176 : index
        %swap3A_183 = tpu.vector_load %arg4[%swap3A_181, %swap3A_182] {strides = array<i32>} : memref<40x1024xf32, #tpu.memory_space<vmem>>, vector<1x16xf32>,
        %swap3A_184 = vector.shape_cast %swap3A_183 : vector<1x16xf32> to vector<16xf32>
        %swap3A_185 = vector.shape_cast %mul3A_180 : vector<16xf32> to vector<1x16xf32>
        tpu.vector_store %arg4[%swap3A_181, %swap3A_182], %swap3A_185 {strides = array<i32>} : memref<40x1024xf32, #tpu.memory_space<vmem>>, vector<1x16xf32>,
        %get3A_186 = arith.index_cast %scan3A_43 : i32 to index
        %get3A_187 = arith.constant 192 : index
        %get3A_188 = tpu.vector_load %arg4[%get3A_186, %get3A_187] {strides = array<i32>} : memref<40x1024xf32, #tpu.memory_space<vmem>>, vector<1x16xf32>,
        %get3A_189 = vector.shape_cast %get3A_188 : vector<1x16xf32> to vector<16xf32>
        %mul3A_190 = arith.constant 6.400000e+01 : f32
        %mul3A_191 = vector.broadcast %mul3A_190 : f32 to vector<16xf32>
        %mul3A_192 = arith.mulf %get3A_189, %mul3A_191 : vector<16xf32>
        %swap3A_193 = arith.index_cast %scan3A_43 : i32 to index
        %swap3A_194 = arith.constant 192 : index
        %swap3A_195 = tpu.vector_load %arg4[%swap3A_193, %swap3A_194] {strides = array<i32>} : memref<40x1024xf32, #tpu.memory_space<vmem>>, vector<1x16xf32>,
        %swap3A_196 = vector.shape_cast %swap3A_195 : vector<1x16xf32> to vector<16xf32>
        %swap3A_197 = vector.shape_cast %mul3A_192 : vector<16xf32> to vector<1x16xf32>
        tpu.vector_store %arg4[%swap3A_193, %swap3A_194], %swap3A_197 {strides = array<i32>} : memref<40x1024xf32, #tpu.memory_space<vmem>>, vector<1x16xf32>,
        %get3A_198 = arith.index_cast %scan3A_43 : i32 to index
        %get3A_199 = arith.constant 208 : index
        %get3A_200 = tpu.vector_load %arg4[%get3A_198, %get3A_199] {strides = array<i32>} : memref<40x1024xf32, #tpu.memory_space<vmem>>, vector<1x16xf32>,
        %get3A_201 = vector.shape_cast %get3A_200 : vector<1x16xf32> to vector<16xf32>
        %mul3A_202 = arith.constant 6.400000e+01 : f32
        %mul3A_203 = vector.broadcast %mul3A_202 : f32 to vector<16xf32>
        %mul3A_204 = arith.mulf %get3A_201, %mul3A_203 : vector<16xf32>
        %swap3A_205 = arith.index_cast %scan3A_43 : i32 to index
        %swap3A_206 = arith.constant 208 : index
        %swap3A_207 = tpu.vector_load %arg4[%swap3A_205, %swap3A_206] {strides = array<i32>} : memref<40x1024xf32, #tpu.memory_space<vmem>>, vector<1x16xf32>,
        %swap3A_208 = vector.shape_cast %swap3A_207 : vector<1x16xf32> to vector<16xf32>
        %swap3A_209 = vector.shape_cast %mul3A_204 : vector<16xf32> to vector<1x16xf32>
        tpu.vector_store %arg4[%swap3A_205, %swap3A_206], %swap3A_209 {strides = array<i32>} : memref<40x1024xf32, #tpu.memory_space<vmem>>, vector<1x16xf32>,
        %get3A_210 = arith.index_cast %scan3A_43 : i32 to index
        %get3A_211 = arith.constant 224 : index
        %get3A_212 = tpu.vector_load %arg4[%get3A_210, %get3A_211] {strides = array<i32>} : memref<40x1024xf32, #tpu.memory_space<vmem>>, vector<1x16xf32>,
        %get3A_213 = vector.shape_cast %get3A_212 : vector<1x16xf32> to vector<16xf32>
        %mul3A_214 = arith.constant 6.400000e+01 : f32
        %mul3A_215 = vector.broadcast %mul3A_214 : f32 to vector<16xf32>
        %mul3A_216 = arith.mulf %get3A_213, %mul3A_215 : vector<16xf32>
        %swap3A_217 = arith.index_cast %scan3A_43 : i32 to index
        %swap3A_218 = arith.constant 224 : index
        %swap3A_219 = tpu.vector_load %arg4[%swap3A_217, %swap3A_218] {strides = array<i32>} : memref<40x1024xf32, #tpu.memory_space<vmem>>, vector<1x16xf32>,
        %swap3A_220 = vector.shape_cast %swap3A_219 : vector<1x16xf32> to vector<16xf32>
        %swap3A_221 = vector.shape_cast %mul3A_216 : vector<16xf32> to vector<1x16xf32>
        tpu.vector_store %arg4[%swap3A_217, %swap3A_218], %swap3A_221 {strides = array<i32>} : memref<40x1024xf32, #tpu.memory_space<vmem>>, vector<1x16xf32>,
        %get3A_222 = arith.index_cast %scan3A_43 : i32 to index
        %get3A_223 = arith.constant 240 : index
        %get3A_224 = tpu.vector_load %arg4[%get3A_222, %get3A_223] {strides = array<i32>} : memref<40x1024xf32, #tpu.memory_space<vmem>>, vector<1x16xf32>,
        %get3A_225 = vector.shape_cast %get3A_224 : vector<1x16xf32> to vector<16xf32>
        %mul3A_226 = arith.constant 6.400000e+01 : f32
        %mul3A_227 = vector.broadcast %mul3A_226 : f32 to vector<16xf32>
        %mul3A_228 = arith.mulf %get3A_225, %mul3A_227 : vector<16xf32>
        %swap3A_229 = arith.index_cast %scan3A_43 : i32 to index
        %swap3A_230 = arith.constant 240 : index
        %swap3A_231 = tpu.vector_load %arg4[%swap3A_229, %swap3A_230] {strides = array<i32>} : memref<40x1024xf32, #tpu.memory_space<vmem>>, vector<1x16xf32>,
        %swap3A_232 = vector.shape_cast %swap3A_231 : vector<1x16xf32> to vector<16xf32>
        %swap3A_233 = vector.shape_cast %mul3A_228 : vector<16xf32> to vector<1x16xf32>
        tpu.vector_store %arg4[%swap3A_229, %swap3A_230], %swap3A_233 {strides = array<i32>} : memref<40x1024xf32, #tpu.memory_space<vmem>>, vector<1x16xf32>,
        %get3A_234 = arith.index_cast %scan3A_43 : i32 to index
        %get3A_235 = arith.constant 256 : index
        %get3A_236 = tpu.vector_load %arg4[%get3A_234, %get3A_235] {strides = array<i32>} : memref<40x1024xf32, #tpu.memory_space<vmem>>, vector<1x16xf32>,
        %get3A_237 = vector.shape_cast %get3A_236 : vector<1x16xf32> to vector<16xf32>
        %mul3A_238 = arith.constant 6.400000e+01 : f32
        %mul3A_239 = vector.broadcast %mul3A_238 : f32 to vector<16xf32>
        %mul3A_240 = arith.mulf %get3A_237, %mul3A_239 : vector<16xf32>
        %swap3A_241 = arith.index_cast %scan3A_43 : i32 to index
        %swap3A_242 = arith.constant 256 : index
        %swap3A_243 = tpu.vector_load %arg4[%swap3A_241, %swap3A_242] {strides = array<i32>} : memref<40x1024xf32, #tpu.memory_space<vmem>>, vector<1x16xf32>,
        %swap3A_244 = vector.shape_cast %swap3A_243 : vector<1x16xf32> to vector<16xf32>
        %swap3A_245 = vector.shape_cast %mul3A_240 : vector<16xf32> to vector<1x16xf32>
        tpu.vector_store %arg4[%swap3A_241, %swap3A_242], %swap3A_245 {strides = array<i32>} : memref<40x1024xf32, #tpu.memory_space<vmem>>, vector<1x16xf32>,
        %get3A_246 = arith.index_cast %scan3A_43 : i32 to index
        %get3A_247 = arith.constant 272 : index
        %get3A_248 = tpu.vector_load %arg4[%get3A_246, %get3A_247] {strides = array<i32>} : memref<40x1024xf32, #tpu.memory_space<vmem>>, vector<1x16xf32>,
        %get3A_249 = vector.shape_cast %get3A_248 : vector<1x16xf32> to vector<16xf32>
        %mul3A_250 = arith.constant 6.400000e+01 : f32
        %mul3A_251 = vector.broadcast %mul3A_250 : f32 to vector<16xf32>
        %mul3A_252 = arith.mulf %get3A_249, %mul3A_251 : vector<16xf32>
        %swap3A_253 = arith.index_cast %scan3A_43 : i32 to index
        %swap3A_254 = arith.constant 272 : index
        %swap3A_255 = tpu.vector_load %arg4[%swap3A_253, %swap3A_254] {strides = array<i32>} : memref<40x1024xf32, #tpu.memory_space<vmem>>, vector<1x16xf32>,
        %swap3A_256 = vector.shape_cast %swap3A_255 : vector<1x16xf32> to vector<16xf32>
        %swap3A_257 = vector.shape_cast %mul3A_252 : vector<16xf32> to vector<1x16xf32>
        tpu.vector_store %arg4[%swap3A_253, %swap3A_254], %swap3A_257 {strides = array<i32>} : memref<40x1024xf32, #tpu.memory_space<vmem>>, vector<1x16xf32>,
        %get3A_258 = arith.index_cast %scan3A_43 : i32 to index
        %get3A_259 = arith.constant 288 : index
        %get3A_260 = tpu.vector_load %arg4[%get3A_258, %get3A_259] {strides = array<i32>} : memref<40x1024xf32, #tpu.memory_space<vmem>>, vector<1x16xf32>,
        %get3A_261 = vector.shape_cast %get3A_260 : vector<1x16xf32> to vector<16xf32>
        %mul3A_262 = arith.constant 6.400000e+01 : f32
        %mul3A_263 = vector.broadcast %mul3A_262 : f32 to vector<16xf32>
        %mul3A_264 = arith.mulf %get3A_261, %mul3A_263 : vector<16xf32>
        %swap3A_265 = arith.index_cast %scan3A_43 : i32 to index
        %swap3A_266 = arith.constant 288 : index
        %swap3A_267 = tpu.vector_load %arg4[%swap3A_265, %swap3A_266] {strides = array<i32>} : memref<40x1024xf32, #tpu.memory_space<vmem>>, vector<1x16xf32>,
        %swap3A_268 = vector.shape_cast %swap3A_267 : vector<1x16xf32> to vector<16xf32>
        %swap3A_269 = vector.shape_cast %mul3A_264 : vector<16xf32> to vector<1x16xf32>
        tpu.vector_store %arg4[%swap3A_265, %swap3A_266], %swap3A_269 {strides = array<i32>} : memref<40x1024xf32, #tpu.memory_space<vmem>>, vector<1x16xf32>,
        %get3A_270 = arith.index_cast %scan3A_43 : i32 to index
        %get3A_271 = arith.constant 304 : index
        %get3A_272 = tpu.vector_load %arg4[%get3A_270, %get3A_271] {strides = array<i32>} : memref<40x1024xf32, #tpu.memory_space<vmem>>, vector<1x16xf32>,
        %get3A_273 = vector.shape_cast %get3A_272 : vector<1x16xf32> to vector<16xf32>
        %mul3A_274 = arith.constant 6.400000e+01 : f32
        %mul3A_275 = vector.broadcast %mul3A_274 : f32 to vector<16xf32>
        %mul3A_276 = arith.mulf %get3A_273, %mul3A_275 : vector<16xf32>
        %swap3A_277 = arith.index_cast %scan3A_43 : i32 to index
        %swap3A_278 = arith.constant 304 : index
        %swap3A_279 = tpu.vector_load %arg4[%swap3A_277, %swap3A_278] {strides = array<i32>} : memref<40x1024xf32, #tpu.memory_space<vmem>>, vector<1x16xf32>,
        %swap3A_280 = vector.shape_cast %swap3A_279 : vector<1x16xf32> to vector<16xf32>
        %swap3A_281 = vector.shape_cast %mul3A_276 : vector<16xf32> to vector<1x16xf32>
        tpu.vector_store %arg4[%swap3A_277, %swap3A_278], %swap3A_281 {strides = array<i32>} : memref<40x1024xf32, #tpu.memory_space<vmem>>, vector<1x16xf32>,
        %get3A_282 = arith.index_cast %scan3A_43 : i32 to index
        %get3A_283 = arith.constant 320 : index
        %get3A_284 = tpu.vector_load %arg4[%get3A_282, %get3A_283] {strides = array<i32>} : memref<40x1024xf32, #tpu.memory_space<vmem>>, vector<1x16xf32>,
        %get3A_285 = vector.shape_cast %get3A_284 : vector<1x16xf32> to vector<16xf32>
        %mul3A_286 = arith.constant 6.400000e+01 : f32
        %mul3A_287 = vector.broadcast %mul3A_286 : f32 to vector<16xf32>
        %mul3A_288 = arith.mulf %get3A_285, %mul3A_287 : vector<16xf32>
        %swap3A_289 = arith.index_cast %scan3A_43 : i32 to index
        %swap3A_290 = arith.constant 320 : index
        %swap3A_291 = tpu.vector_load %arg4[%swap3A_289, %swap3A_290] {strides = array<i32>} : memref<40x1024xf32, #tpu.memory_space<vmem>>, vector<1x16xf32>,
        %swap3A_292 = vector.shape_cast %swap3A_291 : vector<1x16xf32> to vector<16xf32>
        %swap3A_293 = vector.shape_cast %mul3A_288 : vector<16xf32> to vector<1x16xf32>
        tpu.vector_store %arg4[%swap3A_289, %swap3A_290], %swap3A_293 {strides = array<i32>} : memref<40x1024xf32, #tpu.memory_space<vmem>>, vector<1x16xf32>,
        %get3A_294 = arith.index_cast %scan3A_43 : i32 to index
        %get3A_295 = arith.constant 336 : index
        %get3A_296 = tpu.vector_load %arg4[%get3A_294, %get3A_295] {strides = array<i32>} : memref<40x1024xf32, #tpu.memory_space<vmem>>, vector<1x16xf32>,
        %get3A_297 = vector.shape_cast %get3A_296 : vector<1x16xf32> to vector<16xf32>
        %mul3A_298 = arith.constant 6.400000e+01 : f32
        %mul3A_299 = vector.broadcast %mul3A_298 : f32 to vector<16xf32>
        %mul3A_300 = arith.mulf %get3A_297, %mul3A_299 : vector<16xf32>
        %swap3A_301 = arith.index_cast %scan3A_43 : i32 to index
        %swap3A_302 = arith.constant 336 : index
        %swap3A_303 = tpu.vector_load %arg4[%swap3A_301, %swap3A_302] {strides = array<i32>} : memref<40x1024xf32, #tpu.memory_space<vmem>>, vector<1x16xf32>,
        %swap3A_304 = vector.shape_cast %swap3A_303 : vector<1x16xf32> to vector<16xf32>
        %swap3A_305 = vector.shape_cast %mul3A_300 : vector<16xf32> to vector<1x16xf32>
        tpu.vector_store %arg4[%swap3A_301, %swap3A_302], %swap3A_305 {strides = array<i32>} : memref<40x1024xf32, #tpu.memory_space<vmem>>, vector<1x16xf32>,
        %get3A_306 = arith.index_cast %scan3A_43 : i32 to index
        %get3A_307 = arith.constant 352 : index
        %get3A_308 = tpu.vector_load %arg4[%get3A_306, %get3A_307] {strides = array<i32>} : memref<40x1024xf32, #tpu.memory_space<vmem>>, vector<1x16xf32>,
        %get3A_309 = vector.shape_cast %get3A_308 : vector<1x16xf32> to vector<16xf32>
        %mul3A_310 = arith.constant 6.400000e+01 : f32
        %mul3A_311 = vector.broadcast %mul3A_310 : f32 to vector<16xf32>
        %mul3A_312 = arith.mulf %get3A_309, %mul3A_311 : vector<16xf32>
        %swap3A_313 = arith.index_cast %scan3A_43 : i32 to index
        %swap3A_314 = arith.constant 352 : index
        %swap3A_315 = tpu.vector_load %arg4[%swap3A_313, %swap3A_314] {strides = array<i32>} : memref<40x1024xf32, #tpu.memory_space<vmem>>, vector<1x16xf32>,
        %swap3A_316 = vector.shape_cast %swap3A_315 : vector<1x16xf32> to vector<16xf32>
        %swap3A_317 = vector.shape_cast %mul3A_312 : vector<16xf32> to vector<1x16xf32>
        tpu.vector_store %arg4[%swap3A_313, %swap3A_314], %swap3A_317 {strides = array<i32>} : memref<40x1024xf32, #tpu.memory_space<vmem>>, vector<1x16xf32>,
        %get3A_318 = arith.index_cast %scan3A_43 : i32 to index
        %get3A_319 = arith.constant 368 : index
        %get3A_320 = tpu.vector_load %arg4[%get3A_318, %get3A_319] {strides = array<i32>} : memref<40x1024xf32, #tpu.memory_space<vmem>>, vector<1x16xf32>,
        %get3A_321 = vector.shape_cast %get3A_320 : vector<1x16xf32> to vector<16xf32>
        %mul3A_322 = arith.constant 6.400000e+01 : f32
        %mul3A_323 = vector.broadcast %mul3A_322 : f32 to vector<16xf32>
        %mul3A_324 = arith.mulf %get3A_321, %mul3A_323 : vector<16xf32>
        %swap3A_325 = arith.index_cast %scan3A_43 : i32 to index
        %swap3A_326 = arith.constant 368 : index
        %swap3A_327 = tpu.vector_load %arg4[%swap3A_325, %swap3A_326] {strides = array<i32>} : memref<40x1024xf32, #tpu.memory_space<vmem>>, vector<1x16xf32>,
        %swap3A_328 = vector.shape_cast %swap3A_327 : vector<1x16xf32> to vector<16xf32>
        %swap3A_329 = vector.shape_cast %mul3A_324 : vector<16xf32> to vector<1x16xf32>
        tpu.vector_store %arg4[%swap3A_325, %swap3A_326], %swap3A_329 {strides = array<i32>} : memref<40x1024xf32, #tpu.memory_space<vmem>>, vector<1x16xf32>,
        %get3A_330 = arith.index_cast %scan3A_43 : i32 to index
        %get3A_331 = arith.constant 384 : index
        %get3A_332 = tpu.vector_load %arg4[%get3A_330, %get3A_331] {strides = array<i32>} : memref<40x1024xf32, #tpu.memory_space<vmem>>, vector<1x16xf32>,
        %get3A_333 = vector.shape_cast %get3A_332 : vector<1x16xf32> to vector<16xf32>
        %mul3A_334 = arith.constant 6.400000e+01 : f32
        %mul3A_335 = vector.broadcast %mul3A_334 : f32 to vector<16xf32>
        %mul3A_336 = arith.mulf %get3A_333, %mul3A_335 : vector<16xf32>
        %swap3A_337 = arith.index_cast %scan3A_43 : i32 to index
        %swap3A_338 = arith.constant 384 : index
        %swap3A_339 = tpu.vector_load %arg4[%swap3A_337, %swap3A_338] {strides = array<i32>} : memref<40x1024xf32, #tpu.memory_space<vmem>>, vector<1x16xf32>,
        %swap3A_340 = vector.shape_cast %swap3A_339 : vector<1x16xf32> to vector<16xf32>
        %swap3A_341 = vector.shape_cast %mul3A_336 : vector<16xf32> to vector<1x16xf32>
        tpu.vector_store %arg4[%swap3A_337, %swap3A_338], %swap3A_341 {strides = array<i32>} : memref<40x1024xf32, #tpu.memory_space<vmem>>, vector<1x16xf32>,
        %get3A_342 = arith.index_cast %scan3A_43 : i32 to index
        %get3A_343 = arith.constant 400 : index
        %get3A_344 = tpu.vector_load %arg4[%get3A_342, %get3A_343] {strides = array<i32>} : memref<40x1024xf32, #tpu.memory_space<vmem>>, vector<1x16xf32>,
        %get3A_345 = vector.shape_cast %get3A_344 : vector<1x16xf32> to vector<16xf32>
        %mul3A_346 = arith.constant 6.400000e+01 : f32
        %mul3A_347 = vector.broadcast %mul3A_346 : f32 to vector<16xf32>
        %mul3A_348 = arith.mulf %get3A_345, %mul3A_347 : vector<16xf32>
        %swap3A_349 = arith.index_cast %scan3A_43 : i32 to index
        %swap3A_350 = arith.constant 400 : index
        %swap3A_351 = tpu.vector_load %arg4[%swap3A_349, %swap3A_350] {strides = array<i32>} : memref<40x1024xf32, #tpu.memory_space<vmem>>, vector<1x16xf32>,
        %swap3A_352 = vector.shape_cast %swap3A_351 : vector<1x16xf32> to vector<16xf32>
        %swap3A_353 = vector.shape_cast %mul3A_348 : vector<16xf32> to vector<1x16xf32>
        tpu.vector_store %arg4[%swap3A_349, %swap3A_350], %swap3A_353 {strides = array<i32>} : memref<40x1024xf32, #tpu.memory_space<vmem>>, vector<1x16xf32>,
        %get3A_354 = arith.index_cast %scan3A_43 : i32 to index
        %get3A_355 = arith.constant 416 : index
        %get3A_356 = tpu.vector_load %arg4[%get3A_354, %get3A_355] {strides = array<i32>} : memref<40x1024xf32, #tpu.memory_space<vmem>>, vector<1x16xf32>,
        %get3A_357 = vector.shape_cast %get3A_356 : vector<1x16xf32> to vector<16xf32>
        %mul3A_358 = arith.constant 6.400000e+01 : f32
        %mul3A_359 = vector.broadcast %mul3A_358 : f32 to vector<16xf32>
        %mul3A_360 = arith.mulf %get3A_357, %mul3A_359 : vector<16xf32>
        %swap3A_361 = arith.index_cast %scan3A_43 : i32 to index
        %swap3A_362 = arith.constant 416 : index
        %swap3A_363 = tpu.vector_load %arg4[%swap3A_361, %swap3A_362] {strides = array<i32>} : memref<40x1024xf32, #tpu.memory_space<vmem>>, vector<1x16xf32>,
        %swap3A_364 = vector.shape_cast %swap3A_363 : vector<1x16xf32> to vector<16xf32>
        %swap3A_365 = vector.shape_cast %mul3A_360 : vector<16xf32> to vector<1x16xf32>
        tpu.vector_store %arg4[%swap3A_361, %swap3A_362], %swap3A_365 {strides = array<i32>} : memref<40x1024xf32, #tpu.memory_space<vmem>>, vector<1x16xf32>,
        %get3A_366 = arith.index_cast %scan3A_43 : i32 to index
        %get3A_367 = arith.constant 432 : index
        %get3A_368 = tpu.vector_load %arg4[%get3A_366, %get3A_367] {strides = array<i32>} : memref<40x1024xf32, #tpu.memory_space<vmem>>, vector<1x16xf32>,
        %get3A_369 = vector.shape_cast %get3A_368 : vector<1x16xf32> to vector<16xf32>
        %mul3A_370 = arith.constant 6.400000e+01 : f32
        %mul3A_371 = vector.broadcast %mul3A_370 : f32 to vector<16xf32>
        %mul3A_372 = arith.mulf %get3A_369, %mul3A_371 : vector<16xf32>
        %swap3A_373 = arith.index_cast %scan3A_43 : i32 to index
        %swap3A_374 = arith.constant 432 : index
        %swap3A_375 = tpu.vector_load %arg4[%swap3A_373, %swap3A_374] {strides = array<i32>} : memref<40x1024xf32, #tpu.memory_space<vmem>>, vector<1x16xf32>,
        %swap3A_376 = vector.shape_cast %swap3A_375 : vector<1x16xf32> to vector<16xf32>
        %swap3A_377 = vector.shape_cast %mul3A_372 : vector<16xf32> to vector<1x16xf32>
        tpu.vector_store %arg4[%swap3A_373, %swap3A_374], %swap3A_377 {strides = array<i32>} : memref<40x1024xf32, #tpu.memory_space<vmem>>, vector<1x16xf32>,
        %get3A_378 = arith.index_cast %scan3A_43 : i32 to index
        %get3A_379 = arith.constant 448 : index
        %get3A_380 = tpu.vector_load %arg4[%get3A_378, %get3A_379] {strides = array<i32>} : memref<40x1024xf32, #tpu.memory_space<vmem>>, vector<1x16xf32>,
        %get3A_381 = vector.shape_cast %get3A_380 : vector<1x16xf32> to vector<16xf32>
        %mul3A_382 = arith.constant 6.400000e+01 : f32
        %mul3A_383 = vector.broadcast %mul3A_382 : f32 to vector<16xf32>
        %mul3A_384 = arith.mulf %get3A_381, %mul3A_383 : vector<16xf32>
        %swap3A_385 = arith.index_cast %scan3A_43 : i32 to index
        %swap3A_386 = arith.constant 448 : index
        %swap3A_387 = tpu.vector_load %arg4[%swap3A_385, %swap3A_386] {strides = array<i32>} : memref<40x1024xf32, #tpu.memory_space<vmem>>, vector<1x16xf32>,
        %swap3A_388 = vector.shape_cast %swap3A_387 : vector<1x16xf32> to vector<16xf32>
        %swap3A_389 = vector.shape_cast %mul3A_384 : vector<16xf32> to vector<1x16xf32>
        tpu.vector_store %arg4[%swap3A_385, %swap3A_386], %swap3A_389 {strides = array<i32>} : memref<40x1024xf32, #tpu.memory_space<vmem>>, vector<1x16xf32>,
        %get3A_390 = arith.index_cast %scan3A_43 : i32 to index
        %get3A_391 = arith.constant 464 : index
        %get3A_392 = tpu.vector_load %arg4[%get3A_390, %get3A_391] {strides = array<i32>} : memref<40x1024xf32, #tpu.memory_space<vmem>>, vector<1x16xf32>,
        %get3A_393 = vector.shape_cast %get3A_392 : vector<1x16xf32> to vector<16xf32>
        %mul3A_394 = arith.constant 6.400000e+01 : f32
        %mul3A_395 = vector.broadcast %mul3A_394 : f32 to vector<16xf32>
        %mul3A_396 = arith.mulf %get3A_393, %mul3A_395 : vector<16xf32>
        %swap3A_397 = arith.index_cast %scan3A_43 : i32 to index
        %swap3A_398 = arith.constant 464 : index
        %swap3A_399 = tpu.vector_load %arg4[%swap3A_397, %swap3A_398] {strides = array<i32>} : memref<40x1024xf32, #tpu.memory_space<vmem>>, vector<1x16xf32>,
        %swap3A_400 = vector.shape_cast %swap3A_399 : vector<1x16xf32> to vector<16xf32>
        %swap3A_401 = vector.shape_cast %mul3A_396 : vector<16xf32> to vector<1x16xf32>
        tpu.vector_store %arg4[%swap3A_397, %swap3A_398], %swap3A_401 {strides = array<i32>} : memref<40x1024xf32, #tpu.memory_space<vmem>>, vector<1x16xf32>,
        %get3A_402 = arith.index_cast %scan3A_43 : i32 to index
        %get3A_403 = arith.constant 480 : index
        %get3A_404 = tpu.vector_load %arg4[%get3A_402, %get3A_403] {strides = array<i32>} : memref<40x1024xf32, #tpu.memory_space<vmem>>, vector<1x16xf32>,
        %get3A_405 = vector.shape_cast %get3A_404 : vector<1x16xf32> to vector<16xf32>
        %mul3A_406 = arith.constant 6.400000e+01 : f32
        %mul3A_407 = vector.broadcast %mul3A_406 : f32 to vector<16xf32>
        %mul3A_408 = arith.mulf %get3A_405, %mul3A_407 : vector<16xf32>
        %swap3A_409 = arith.index_cast %scan3A_43 : i32 to index
        %swap3A_410 = arith.constant 480 : index
        %swap3A_411 = tpu.vector_load %arg4[%swap3A_409, %swap3A_410] {strides = array<i32>} : memref<40x1024xf32, #tpu.memory_space<vmem>>, vector<1x16xf32>,
        %swap3A_412 = vector.shape_cast %swap3A_411 : vector<1x16xf32> to vector<16xf32>
        %swap3A_413 = vector.shape_cast %mul3A_408 : vector<16xf32> to vector<1x16xf32>
        tpu.vector_store %arg4[%swap3A_409, %swap3A_410], %swap3A_413 {strides = array<i32>} : memref<40x1024xf32, #tpu.memory_space<vmem>>, vector<1x16xf32>,
        %get3A_414 = arith.index_cast %scan3A_43 : i32 to index
        %get3A_415 = arith.constant 496 : index
        %get3A_416 = tpu.vector_load %arg4[%get3A_414, %get3A_415] {strides = array<i32>} : memref<40x1024xf32, #tpu.memory_space<vmem>>, vector<1x16xf32>,
        %get3A_417 = vector.shape_cast %get3A_416 : vector<1x16xf32> to vector<16xf32>
        %mul3A_418 = arith.constant 6.400000e+01 : f32
        %mul3A_419 = vector.broadcast %mul3A_418 : f32 to vector<16xf32>
        %mul3A_420 = arith.mulf %get3A_417, %mul3A_419 : vector<16xf32>
        %swap3A_421 = arith.index_cast %scan3A_43 : i32 to index
        %swap3A_422 = arith.constant 496 : index
        %swap3A_423 = tpu.vector_load %arg4[%swap3A_421, %swap3A_422] {strides = array<i32>} : memref<40x1024xf32, #tpu.memory_space<vmem>>, vector<1x16xf32>,
        %swap3A_424 = vector.shape_cast %swap3A_423 : vector<1x16xf32> to vector<16xf32>
        %swap3A_425 = vector.shape_cast %mul3A_420 : vector<16xf32> to vector<1x16xf32>
        tpu.vector_store %arg4[%swap3A_421, %swap3A_422], %swap3A_425 {strides = array<i32>} : memref<40x1024xf32, #tpu.memory_space<vmem>>, vector<1x16xf32>,
        %get3A_426 = arith.index_cast %scan3A_43 : i32 to index
        %get3A_427 = arith.constant 512 : index
        %get3A_428 = tpu.vector_load %arg4[%get3A_426, %get3A_427] {strides = array<i32>} : memref<40x1024xf32, #tpu.memory_space<vmem>>, vector<1x16xf32>,
        %get3A_429 = vector.shape_cast %get3A_428 : vector<1x16xf32> to vector<16xf32>
        %mul3A_430 = arith.constant 6.400000e+01 : f32
        %mul3A_431 = vector.broadcast %mul3A_430 : f32 to vector<16xf32>
        %mul3A_432 = arith.mulf %get3A_429, %mul3A_431 : vector<16xf32>
        %swap3A_433 = arith.index_cast %scan3A_43 : i32 to index
        %swap3A_434 = arith.constant 512 : index
        %swap3A_435 = tpu.vector_load %arg4[%swap3A_433, %swap3A_434] {strides = array<i32>} : memref<40x1024xf32, #tpu.memory_space<vmem>>, vector<1x16xf32>,
        %swap3A_436 = vector.shape_cast %swap3A_435 : vector<1x16xf32> to vector<16xf32>
        %swap3A_437 = vector.shape_cast %mul3A_432 : vector<16xf32> to vector<1x16xf32>
        tpu.vector_store %arg4[%swap3A_433, %swap3A_434], %swap3A_437 {strides = array<i32>} : memref<40x1024xf32, #tpu.memory_space<vmem>>, vector<1x16xf32>,
        %get3A_438 = arith.index_cast %scan3A_43 : i32 to index
        %get3A_439 = arith.constant 528 : index
        %get3A_440 = tpu.vector_load %arg4[%get3A_438, %get3A_439] {strides = array<i32>} : memref<40x1024xf32, #tpu.memory_space<vmem>>, vector<1x16xf32>,
        %get3A_441 = vector.shape_cast %get3A_440 : vector<1x16xf32> to vector<16xf32>
        %mul3A_442 = arith.constant 6.400000e+01 : f32
        %mul3A_443 = vector.broadcast %mul3A_442 : f32 to vector<16xf32>
        %mul3A_444 = arith.mulf %get3A_441, %mul3A_443 : vector<16xf32>
        %swap3A_445 = arith.index_cast %scan3A_43 : i32 to index
        %swap3A_446 = arith.constant 528 : index
        %swap3A_447 = tpu.vector_load %arg4[%swap3A_445, %swap3A_446] {strides = array<i32>} : memref<40x1024xf32, #tpu.memory_space<vmem>>, vector<1x16xf32>,
        %swap3A_448 = vector.shape_cast %swap3A_447 : vector<1x16xf32> to vector<16xf32>
        %swap3A_449 = vector.shape_cast %mul3A_444 : vector<16xf32> to vector<1x16xf32>
        tpu.vector_store %arg4[%swap3A_445, %swap3A_446], %swap3A_449 {strides = array<i32>} : memref<40x1024xf32, #tpu.memory_space<vmem>>, vector<1x16xf32>,
        %get3A_450 = arith.index_cast %scan3A_43 : i32 to index
        %get3A_451 = arith.constant 544 : index
        %get3A_452 = tpu.vector_load %arg4[%get3A_450, %get3A_451] {strides = array<i32>} : memref<40x1024xf32, #tpu.memory_space<vmem>>, vector<1x16xf32>,
        %get3A_453 = vector.shape_cast %get3A_452 : vector<1x16xf32> to vector<16xf32>
        %mul3A_454 = arith.constant 6.400000e+01 : f32
        %mul3A_455 = vector.broadcast %mul3A_454 : f32 to vector<16xf32>
        %mul3A_456 = arith.mulf %get3A_453, %mul3A_455 : vector<16xf32>
        %swap3A_457 = arith.index_cast %scan3A_43 : i32 to index
        %swap3A_458 = arith.constant 544 : index
        %swap3A_459 = tpu.vector_load %arg4[%swap3A_457, %swap3A_458] {strides = array<i32>} : memref<40x1024xf32, #tpu.memory_space<vmem>>, vector<1x16xf32>,
        %swap3A_460 = vector.shape_cast %swap3A_459 : vector<1x16xf32> to vector<16xf32>
        %swap3A_461 = vector.shape_cast %mul3A_456 : vector<16xf32> to vector<1x16xf32>
        tpu.vector_store %arg4[%swap3A_457, %swap3A_458], %swap3A_461 {strides = array<i32>} : memref<40x1024xf32, #tpu.memory_space<vmem>>, vector<1x16xf32>,
        %get3A_462 = arith.index_cast %scan3A_43 : i32 to index
        %get3A_463 = arith.constant 560 : index
        %get3A_464 = tpu.vector_load %arg4[%get3A_462, %get3A_463] {strides = array<i32>} : memref<40x1024xf32, #tpu.memory_space<vmem>>, vector<1x16xf32>,
        %get3A_465 = vector.shape_cast %get3A_464 : vector<1x16xf32> to vector<16xf32>
        %mul3A_466 = arith.constant 6.400000e+01 : f32
        %mul3A_467 = vector.broadcast %mul3A_466 : f32 to vector<16xf32>
        %mul3A_468 = arith.mulf %get3A_465, %mul3A_467 : vector<16xf32>
        %swap3A_469 = arith.index_cast %scan3A_43 : i32 to index
        %swap3A_470 = arith.constant 560 : index
        %swap3A_471 = tpu.vector_load %arg4[%swap3A_469, %swap3A_470] {strides = array<i32>} : memref<40x1024xf32, #tpu.memory_space<vmem>>, vector<1x16xf32>,
        %swap3A_472 = vector.shape_cast %swap3A_471 : vector<1x16xf32> to vector<16xf32>
        %swap3A_473 = vector.shape_cast %mul3A_468 : vector<16xf32> to vector<1x16xf32>
        tpu.vector_store %arg4[%swap3A_469, %swap3A_470], %swap3A_473 {strides = array<i32>} : memref<40x1024xf32, #tpu.memory_space<vmem>>, vector<1x16xf32>,
        %get3A_474 = arith.index_cast %scan3A_43 : i32 to index
        %get3A_475 = arith.constant 576 : index
        %get3A_476 = tpu.vector_load %arg4[%get3A_474, %get3A_475] {strides = array<i32>} : memref<40x1024xf32, #tpu.memory_space<vmem>>, vector<1x16xf32>,
        %get3A_477 = vector.shape_cast %get3A_476 : vector<1x16xf32> to vector<16xf32>
        %mul3A_478 = arith.constant 6.400000e+01 : f32
        %mul3A_479 = vector.broadcast %mul3A_478 : f32 to vector<16xf32>
        %mul3A_480 = arith.mulf %get3A_477, %mul3A_479 : vector<16xf32>
        %swap3A_481 = arith.index_cast %scan3A_43 : i32 to index
        %swap3A_482 = arith.constant 576 : index
        %swap3A_483 = tpu.vector_load %arg4[%swap3A_481, %swap3A_482] {strides = array<i32>} : memref<40x1024xf32, #tpu.memory_space<vmem>>, vector<1x16xf32>,
        %swap3A_484 = vector.shape_cast %swap3A_483 : vector<1x16xf32> to vector<16xf32>
        %swap3A_485 = vector.shape_cast %mul3A_480 : vector<16xf32> to vector<1x16xf32>
        tpu.vector_store %arg4[%swap3A_481, %swap3A_482], %swap3A_485 {strides = array<i32>} : memref<40x1024xf32, #tpu.memory_space<vmem>>, vector<1x16xf32>,
        %get3A_486 = arith.index_cast %scan3A_43 : i32 to index
        %get3A_487 = arith.constant 592 : index
        %get3A_488 = tpu.vector_load %arg4[%get3A_486, %get3A_487] {strides = array<i32>} : memref<40x1024xf32, #tpu.memory_space<vmem>>, vector<1x16xf32>,
        %get3A_489 = vector.shape_cast %get3A_488 : vector<1x16xf32> to vector<16xf32>
        %mul3A_490 = arith.constant 6.400000e+01 : f32
        %mul3A_491 = vector.broadcast %mul3A_490 : f32 to vector<16xf32>
        %mul3A_492 = arith.mulf %get3A_489, %mul3A_491 : vector<16xf32>
        %swap3A_493 = arith.index_cast %scan3A_43 : i32 to index
        %swap3A_494 = arith.constant 592 : index
        %swap3A_495 = tpu.vector_load %arg4[%swap3A_493, %swap3A_494] {strides = array<i32>} : memref<40x1024xf32, #tpu.memory_space<vmem>>, vector<1x16xf32>,
        %swap3A_496 = vector.shape_cast %swap3A_495 : vector<1x16xf32> to vector<16xf32>
        %swap3A_497 = vector.shape_cast %mul3A_492 : vector<16xf32> to vector<1x16xf32>
        tpu.vector_store %arg4[%swap3A_493, %swap3A_494], %swap3A_497 {strides = array<i32>} : memref<40x1024xf32, #tpu.memory_space<vmem>>, vector<1x16xf32>,
        %get3A_498 = arith.index_cast %scan3A_43 : i32 to index
        %get3A_499 = arith.constant 608 : index
        %get3A_500 = tpu.vector_load %arg4[%get3A_498, %get3A_499] {strides = array<i32>} : memref<40x1024xf32, #tpu.memory_space<vmem>>, vector<1x16xf32>,
        %get3A_501 = vector.shape_cast %get3A_500 : vector<1x16xf32> to vector<16xf32>
        %mul3A_502 = arith.constant 6.400000e+01 : f32
        %mul3A_503 = vector.broadcast %mul3A_502 : f32 to vector<16xf32>
        %mul3A_504 = arith.mulf %get3A_501, %mul3A_503 : vector<16xf32>
        %swap3A_505 = arith.index_cast %scan3A_43 : i32 to index
        %swap3A_506 = arith.constant 608 : index
        %swap3A_507 = tpu.vector_load %arg4[%swap3A_505, %swap3A_506] {strides = array<i32>} : memref<40x1024xf32, #tpu.memory_space<vmem>>, vector<1x16xf32>,
        %swap3A_508 = vector.shape_cast %swap3A_507 : vector<1x16xf32> to vector<16xf32>
        %swap3A_509 = vector.shape_cast %mul3A_504 : vector<16xf32> to vector<1x16xf32>
        tpu.vector_store %arg4[%swap3A_505, %swap3A_506], %swap3A_509 {strides = array<i32>} : memref<40x1024xf32, #tpu.memory_space<vmem>>, vector<1x16xf32>,
        %get3A_510 = arith.index_cast %scan3A_43 : i32 to index
        %get3A_511 = arith.constant 624 : index
        %get3A_512 = tpu.vector_load %arg4[%get3A_510, %get3A_511] {strides = array<i32>} : memref<40x1024xf32, #tpu.memory_space<vmem>>, vector<1x16xf32>,
        %get3A_513 = vector.shape_cast %get3A_512 : vector<1x16xf32> to vector<16xf32>
        %mul3A_514 = arith.constant 6.400000e+01 : f32
        %mul3A_515 = vector.broadcast %mul3A_514 : f32 to vector<16xf32>
        %mul3A_516 = arith.mulf %get3A_513, %mul3A_515 : vector<16xf32>
        %swap3A_517 = arith.index_cast %scan3A_43 : i32 to index
        %swap3A_518 = arith.constant 624 : index
        %swap3A_519 = tpu.vector_load %arg4[%swap3A_517, %swap3A_518] {strides = array<i32>} : memref<40x1024xf32, #tpu.memory_space<vmem>>, vector<1x16xf32>,
        %swap3A_520 = vector.shape_cast %swap3A_519 : vector<1x16xf32> to vector<16xf32>
        %swap3A_521 = vector.shape_cast %mul3A_516 : vector<16xf32> to vector<1x16xf32>
        tpu.vector_store %arg4[%swap3A_517, %swap3A_518], %swap3A_521 {strides = array<i32>} : memref<40x1024xf32, #tpu.memory_space<vmem>>, vector<1x16xf32>,
        %get3A_522 = arith.index_cast %scan3A_43 : i32 to index
        %get3A_523 = arith.constant 640 : index
        %get3A_524 = tpu.vector_load %arg4[%get3A_522, %get3A_523] {strides = array<i32>} : memref<40x1024xf32, #tpu.memory_space<vmem>>, vector<1x16xf32>,
        %get3A_525 = vector.shape_cast %get3A_524 : vector<1x16xf32> to vector<16xf32>
        %mul3A_526 = arith.constant 6.400000e+01 : f32
        %mul3A_527 = vector.broadcast %mul3A_526 : f32 to vector<16xf32>
        %mul3A_528 = arith.mulf %get3A_525, %mul3A_527 : vector<16xf32>
        %swap3A_529 = arith.index_cast %scan3A_43 : i32 to index
        %swap3A_530 = arith.constant 640 : index
        %swap3A_531 = tpu.vector_load %arg4[%swap3A_529, %swap3A_530] {strides = array<i32>} : memref<40x1024xf32, #tpu.memory_space<vmem>>, vector<1x16xf32>,
        %swap3A_532 = vector.shape_cast %swap3A_531 : vector<1x16xf32> to vector<16xf32>
        %swap3A_533 = vector.shape_cast %mul3A_528 : vector<16xf32> to vector<1x16xf32>
        tpu.vector_store %arg4[%swap3A_529, %swap3A_530], %swap3A_533 {strides = array<i32>} : memref<40x1024xf32, #tpu.memory_space<vmem>>, vector<1x16xf32>,
        %get3A_534 = arith.index_cast %scan3A_43 : i32 to index
        %get3A_535 = arith.constant 656 : index
        %get3A_536 = tpu.vector_load %arg4[%get3A_534, %get3A_535] {strides = array<i32>} : memref<40x1024xf32, #tpu.memory_space<vmem>>, vector<1x16xf32>,
        %get3A_537 = vector.shape_cast %get3A_536 : vector<1x16xf32> to vector<16xf32>
        %mul3A_538 = arith.constant 6.400000e+01 : f32
        %mul3A_539 = vector.broadcast %mul3A_538 : f32 to vector<16xf32>
        %mul3A_540 = arith.mulf %get3A_537, %mul3A_539 : vector<16xf32>
        %swap3A_541 = arith.index_cast %scan3A_43 : i32 to index
        %swap3A_542 = arith.constant 656 : index
        %swap3A_543 = tpu.vector_load %arg4[%swap3A_541, %swap3A_542] {strides = array<i32>} : memref<40x1024xf32, #tpu.memory_space<vmem>>, vector<1x16xf32>,
        %swap3A_544 = vector.shape_cast %swap3A_543 : vector<1x16xf32> to vector<16xf32>
        %swap3A_545 = vector.shape_cast %mul3A_540 : vector<16xf32> to vector<1x16xf32>
        tpu.vector_store %arg4[%swap3A_541, %swap3A_542], %swap3A_545 {strides = array<i32>} : memref<40x1024xf32, #tpu.memory_space<vmem>>, vector<1x16xf32>,
        %get3A_546 = arith.index_cast %scan3A_43 : i32 to index
        %get3A_547 = arith.constant 672 : index
        %get3A_548 = tpu.vector_load %arg4[%get3A_546, %get3A_547] {strides = array<i32>} : memref<40x1024xf32, #tpu.memory_space<vmem>>, vector<1x16xf32>,
        %get3A_549 = vector.shape_cast %get3A_548 : vector<1x16xf32> to vector<16xf32>
        %mul3A_550 = arith.constant 6.400000e+01 : f32
        %mul3A_551 = vector.broadcast %mul3A_550 : f32 to vector<16xf32>
        %mul3A_552 = arith.mulf %get3A_549, %mul3A_551 : vector<16xf32>
        %swap3A_553 = arith.index_cast %scan3A_43 : i32 to index
        %swap3A_554 = arith.constant 672 : index
        %swap3A_555 = tpu.vector_load %arg4[%swap3A_553, %swap3A_554] {strides = array<i32>} : memref<40x1024xf32, #tpu.memory_space<vmem>>, vector<1x16xf32>,
        %swap3A_556 = vector.shape_cast %swap3A_555 : vector<1x16xf32> to vector<16xf32>
        %swap3A_557 = vector.shape_cast %mul3A_552 : vector<16xf32> to vector<1x16xf32>
        tpu.vector_store %arg4[%swap3A_553, %swap3A_554], %swap3A_557 {strides = array<i32>} : memref<40x1024xf32, #tpu.memory_space<vmem>>, vector<1x16xf32>,
        %get3A_558 = arith.index_cast %scan3A_43 : i32 to index
        %get3A_559 = arith.constant 688 : index
        %get3A_560 = tpu.vector_load %arg4[%get3A_558, %get3A_559] {strides = array<i32>} : memref<40x1024xf32, #tpu.memory_space<vmem>>, vector<1x16xf32>,
        %get3A_561 = vector.shape_cast %get3A_560 : vector<1x16xf32> to vector<16xf32>
        %mul3A_562 = arith.constant 6.400000e+01 : f32
        %mul3A_563 = vector.broadcast %mul3A_562 : f32 to vector<16xf32>
        %mul3A_564 = arith.mulf %get3A_561, %mul3A_563 : vector<16xf32>
        %swap3A_565 = arith.index_cast %scan3A_43 : i32 to index
        %swap3A_566 = arith.constant 688 : index
        %swap3A_567 = tpu.vector_load %arg4[%swap3A_565, %swap3A_566] {strides = array<i32>} : memref<40x1024xf32, #tpu.memory_space<vmem>>, vector<1x16xf32>,
        %swap3A_568 = vector.shape_cast %swap3A_567 : vector<1x16xf32> to vector<16xf32>
        %swap3A_569 = vector.shape_cast %mul3A_564 : vector<16xf32> to vector<1x16xf32>
        tpu.vector_store %arg4[%swap3A_565, %swap3A_566], %swap3A_569 {strides = array<i32>} : memref<40x1024xf32, #tpu.memory_space<vmem>>, vector<1x16xf32>,
        %get3A_570 = arith.index_cast %scan3A_43 : i32 to index
        %get3A_571 = arith.constant 704 : index
        %get3A_572 = tpu.vector_load %arg4[%get3A_570, %get3A_571] {strides = array<i32>} : memref<40x1024xf32, #tpu.memory_space<vmem>>, vector<1x16xf32>,
        %get3A_573 = vector.shape_cast %get3A_572 : vector<1x16xf32> to vector<16xf32>
        %mul3A_574 = arith.constant 6.400000e+01 : f32
        %mul3A_575 = vector.broadcast %mul3A_574 : f32 to vector<16xf32>
        %mul3A_576 = arith.mulf %get3A_573, %mul3A_575 : vector<16xf32>
        %swap3A_577 = arith.index_cast %scan3A_43 : i32 to index
        %swap3A_578 = arith.constant 704 : index
        %swap3A_579 = tpu.vector_load %arg4[%swap3A_577, %swap3A_578] {strides = array<i32>} : memref<40x1024xf32, #tpu.memory_space<vmem>>, vector<1x16xf32>,
        %swap3A_580 = vector.shape_cast %swap3A_579 : vector<1x16xf32> to vector<16xf32>
        %swap3A_581 = vector.shape_cast %mul3A_576 : vector<16xf32> to vector<1x16xf32>
        tpu.vector_store %arg4[%swap3A_577, %swap3A_578], %swap3A_581 {strides = array<i32>} : memref<40x1024xf32, #tpu.memory_space<vmem>>, vector<1x16xf32>,
        %get3A_582 = arith.index_cast %scan3A_43 : i32 to index
        %get3A_583 = arith.constant 720 : index
        %get3A_584 = tpu.vector_load %arg4[%get3A_582, %get3A_583] {strides = array<i32>} : memref<40x1024xf32, #tpu.memory_space<vmem>>, vector<1x16xf32>,
        %get3A_585 = vector.shape_cast %get3A_584 : vector<1x16xf32> to vector<16xf32>
        %mul3A_586 = arith.constant 6.400000e+01 : f32
        %mul3A_587 = vector.broadcast %mul3A_586 : f32 to vector<16xf32>
        %mul3A_588 = arith.mulf %get3A_585, %mul3A_587 : vector<16xf32>
        %swap3A_589 = arith.index_cast %scan3A_43 : i32 to index
        %swap3A_590 = arith.constant 720 : index
        %swap3A_591 = tpu.vector_load %arg4[%swap3A_589, %swap3A_590] {strides = array<i32>} : memref<40x1024xf32, #tpu.memory_space<vmem>>, vector<1x16xf32>,
        %swap3A_592 = vector.shape_cast %swap3A_591 : vector<1x16xf32> to vector<16xf32>
        %swap3A_593 = vector.shape_cast %mul3A_588 : vector<16xf32> to vector<1x16xf32>
        tpu.vector_store %arg4[%swap3A_589, %swap3A_590], %swap3A_593 {strides = array<i32>} : memref<40x1024xf32, #tpu.memory_space<vmem>>, vector<1x16xf32>,
        %get3A_594 = arith.index_cast %scan3A_43 : i32 to index
        %get3A_595 = arith.constant 736 : index
        %get3A_596 = tpu.vector_load %arg4[%get3A_594, %get3A_595] {strides = array<i32>} : memref<40x1024xf32, #tpu.memory_space<vmem>>, vector<1x16xf32>,
        %get3A_597 = vector.shape_cast %get3A_596 : vector<1x16xf32> to vector<16xf32>
        %mul3A_598 = arith.constant 6.400000e+01 : f32
        %mul3A_599 = vector.broadcast %mul3A_598 : f32 to vector<16xf32>
        %mul3A_600 = arith.mulf %get3A_597, %mul3A_599 : vector<16xf32>
        %swap3A_601 = arith.index_cast %scan3A_43 : i32 to index
        %swap3A_602 = arith.constant 736 : index
        %swap3A_603 = tpu.vector_load %arg4[%swap3A_601, %swap3A_602] {strides = array<i32>} : memref<40x1024xf32, #tpu.memory_space<vmem>>, vector<1x16xf32>,
        %swap3A_604 = vector.shape_cast %swap3A_603 : vector<1x16xf32> to vector<16xf32>
        %swap3A_605 = vector.shape_cast %mul3A_600 : vector<16xf32> to vector<1x16xf32>
        tpu.vector_store %arg4[%swap3A_601, %swap3A_602], %swap3A_605 {strides = array<i32>} : memref<40x1024xf32, #tpu.memory_space<vmem>>, vector<1x16xf32>,
        %get3A_606 = arith.index_cast %scan3A_43 : i32 to index
        %get3A_607 = arith.constant 752 : index
        %get3A_608 = tpu.vector_load %arg4[%get3A_606, %get3A_607] {strides = array<i32>} : memref<40x1024xf32, #tpu.memory_space<vmem>>, vector<1x16xf32>,
        %get3A_609 = vector.shape_cast %get3A_608 : vector<1x16xf32> to vector<16xf32>
        %mul3A_610 = arith.constant 6.400000e+01 : f32
        %mul3A_611 = vector.broadcast %mul3A_610 : f32 to vector<16xf32>
        %mul3A_612 = arith.mulf %get3A_609, %mul3A_611 : vector<16xf32>
        %swap3A_613 = arith.index_cast %scan3A_43 : i32 to index
        %swap3A_614 = arith.constant 752 : index
        %swap3A_615 = tpu.vector_load %arg4[%swap3A_613, %swap3A_614] {strides = array<i32>} : memref<40x1024xf32, #tpu.memory_space<vmem>>, vector<1x16xf32>,
        %swap3A_616 = vector.shape_cast %swap3A_615 : vector<1x16xf32> to vector<16xf32>
        %swap3A_617 = vector.shape_cast %mul3A_612 : vector<16xf32> to vector<1x16xf32>
        tpu.vector_store %arg4[%swap3A_613, %swap3A_614], %swap3A_617 {strides = array<i32>} : memref<40x1024xf32, #tpu.memory_space<vmem>>, vector<1x16xf32>,
        %get3A_618 = arith.index_cast %scan3A_43 : i32 to index
        %get3A_619 = arith.constant 768 : index
        %get3A_620 = tpu.vector_load %arg4[%get3A_618, %get3A_619] {strides = array<i32>} : memref<40x1024xf32, #tpu.memory_space<vmem>>, vector<1x16xf32>,
        %get3A_621 = vector.shape_cast %get3A_620 : vector<1x16xf32> to vector<16xf32>
        %mul3A_622 = arith.constant 6.400000e+01 : f32
        %mul3A_623 = vector.broadcast %mul3A_622 : f32 to vector<16xf32>
        %mul3A_624 = arith.mulf %get3A_621, %mul3A_623 : vector<16xf32>
        %swap3A_625 = arith.index_cast %scan3A_43 : i32 to index
        %swap3A_626 = arith.constant 768 : index
        %swap3A_627 = tpu.vector_load %arg4[%swap3A_625, %swap3A_626] {strides = array<i32>} : memref<40x1024xf32, #tpu.memory_space<vmem>>, vector<1x16xf32>,
        %swap3A_628 = vector.shape_cast %swap3A_627 : vector<1x16xf32> to vector<16xf32>
        %swap3A_629 = vector.shape_cast %mul3A_624 : vector<16xf32> to vector<1x16xf32>
        tpu.vector_store %arg4[%swap3A_625, %swap3A_626], %swap3A_629 {strides = array<i32>} : memref<40x1024xf32, #tpu.memory_space<vmem>>, vector<1x16xf32>,
        %get3A_630 = arith.index_cast %scan3A_43 : i32 to index
        %get3A_631 = arith.constant 784 : index
        %get3A_632 = tpu.vector_load %arg4[%get3A_630, %get3A_631] {strides = array<i32>} : memref<40x1024xf32, #tpu.memory_space<vmem>>, vector<1x16xf32>,
        %get3A_633 = vector.shape_cast %get3A_632 : vector<1x16xf32> to vector<16xf32>
        %mul3A_634 = arith.constant 6.400000e+01 : f32
        %mul3A_635 = vector.broadcast %mul3A_634 : f32 to vector<16xf32>
        %mul3A_636 = arith.mulf %get3A_633, %mul3A_635 : vector<16xf32>
        %swap3A_637 = arith.index_cast %scan3A_43 : i32 to index
        %swap3A_638 = arith.constant 784 : index
        %swap3A_639 = tpu.vector_load %arg4[%swap3A_637, %swap3A_638] {strides = array<i32>} : memref<40x1024xf32, #tpu.memory_space<vmem>>, vector<1x16xf32>,
        %swap3A_640 = vector.shape_cast %swap3A_639 : vector<1x16xf32> to vector<16xf32>
        %swap3A_641 = vector.shape_cast %mul3A_636 : vector<16xf32> to vector<1x16xf32>
        tpu.vector_store %arg4[%swap3A_637, %swap3A_638], %swap3A_641 {strides = array<i32>} : memref<40x1024xf32, #tpu.memory_space<vmem>>, vector<1x16xf32>,
        %get3A_642 = arith.index_cast %scan3A_43 : i32 to index
        %get3A_643 = arith.constant 800 : index
        %get3A_644 = tpu.vector_load %arg4[%get3A_642, %get3A_643] {strides = array<i32>} : memref<40x1024xf32, #tpu.memory_space<vmem>>, vector<1x16xf32>,
        %get3A_645 = vector.shape_cast %get3A_644 : vector<1x16xf32> to vector<16xf32>
        %mul3A_646 = arith.constant 6.400000e+01 : f32
        %mul3A_647 = vector.broadcast %mul3A_646 : f32 to vector<16xf32>
        %mul3A_648 = arith.mulf %get3A_645, %mul3A_647 : vector<16xf32>
        %swap3A_649 = arith.index_cast %scan3A_43 : i32 to index
        %swap3A_650 = arith.constant 800 : index
        %swap3A_651 = tpu.vector_load %arg4[%swap3A_649, %swap3A_650] {strides = array<i32>} : memref<40x1024xf32, #tpu.memory_space<vmem>>, vector<1x16xf32>,
        %swap3A_652 = vector.shape_cast %swap3A_651 : vector<1x16xf32> to vector<16xf32>
        %swap3A_653 = vector.shape_cast %mul3A_648 : vector<16xf32> to vector<1x16xf32>
        tpu.vector_store %arg4[%swap3A_649, %swap3A_650], %swap3A_653 {strides = array<i32>} : memref<40x1024xf32, #tpu.memory_space<vmem>>, vector<1x16xf32>,
        %get3A_654 = arith.index_cast %scan3A_43 : i32 to index
        %get3A_655 = arith.constant 816 : index
        %get3A_656 = tpu.vector_load %arg4[%get3A_654, %get3A_655] {strides = array<i32>} : memref<40x1024xf32, #tpu.memory_space<vmem>>, vector<1x16xf32>,
        %get3A_657 = vector.shape_cast %get3A_656 : vector<1x16xf32> to vector<16xf32>
        %mul3A_658 = arith.constant 6.400000e+01 : f32
        %mul3A_659 = vector.broadcast %mul3A_658 : f32 to vector<16xf32>
        %mul3A_660 = arith.mulf %get3A_657, %mul3A_659 : vector<16xf32>
        %swap3A_661 = arith.index_cast %scan3A_43 : i32 to index
        %swap3A_662 = arith.constant 816 : index
        %swap3A_663 = tpu.vector_load %arg4[%swap3A_661, %swap3A_662] {strides = array<i32>} : memref<40x1024xf32, #tpu.memory_space<vmem>>, vector<1x16xf32>,
        %swap3A_664 = vector.shape_cast %swap3A_663 : vector<1x16xf32> to vector<16xf32>
        %swap3A_665 = vector.shape_cast %mul3A_660 : vector<16xf32> to vector<1x16xf32>
        tpu.vector_store %arg4[%swap3A_661, %swap3A_662], %swap3A_665 {strides = array<i32>} : memref<40x1024xf32, #tpu.memory_space<vmem>>, vector<1x16xf32>,
        %get3A_666 = arith.index_cast %scan3A_43 : i32 to index
        %get3A_667 = arith.constant 832 : index
        %get3A_668 = tpu.vector_load %arg4[%get3A_666, %get3A_667] {strides = array<i32>} : memref<40x1024xf32, #tpu.memory_space<vmem>>, vector<1x16xf32>,
        %get3A_669 = vector.shape_cast %get3A_668 : vector<1x16xf32> to vector<16xf32>
        %mul3A_670 = arith.constant 6.400000e+01 : f32
        %mul3A_671 = vector.broadcast %mul3A_670 : f32 to vector<16xf32>
        %mul3A_672 = arith.mulf %get3A_669, %mul3A_671 : vector<16xf32>
        %swap3A_673 = arith.index_cast %scan3A_43 : i32 to index
        %swap3A_674 = arith.constant 832 : index
        %swap3A_675 = tpu.vector_load %arg4[%swap3A_673, %swap3A_674] {strides = array<i32>} : memref<40x1024xf32, #tpu.memory_space<vmem>>, vector<1x16xf32>,
        %swap3A_676 = vector.shape_cast %swap3A_675 : vector<1x16xf32> to vector<16xf32>
        %swap3A_677 = vector.shape_cast %mul3A_672 : vector<16xf32> to vector<1x16xf32>
        tpu.vector_store %arg4[%swap3A_673, %swap3A_674], %swap3A_677 {strides = array<i32>} : memref<40x1024xf32, #tpu.memory_space<vmem>>, vector<1x16xf32>,
        %get3A_678 = arith.index_cast %scan3A_43 : i32 to index
        %get3A_679 = arith.constant 848 : index
        %get3A_680 = tpu.vector_load %arg4[%get3A_678, %get3A_679] {strides = array<i32>} : memref<40x1024xf32, #tpu.memory_space<vmem>>, vector<1x16xf32>,
        %get3A_681 = vector.shape_cast %get3A_680 : vector<1x16xf32> to vector<16xf32>
        %mul3A_682 = arith.constant 6.400000e+01 : f32
        %mul3A_683 = vector.broadcast %mul3A_682 : f32 to vector<16xf32>
        %mul3A_684 = arith.mulf %get3A_681, %mul3A_683 : vector<16xf32>
        %swap3A_685 = arith.index_cast %scan3A_43 : i32 to index
        %swap3A_686 = arith.constant 848 : index
        %swap3A_687 = tpu.vector_load %arg4[%swap3A_685, %swap3A_686] {strides = array<i32>} : memref<40x1024xf32, #tpu.memory_space<vmem>>, vector<1x16xf32>,
        %swap3A_688 = vector.shape_cast %swap3A_687 : vector<1x16xf32> to vector<16xf32>
        %swap3A_689 = vector.shape_cast %mul3A_684 : vector<16xf32> to vector<1x16xf32>
        tpu.vector_store %arg4[%swap3A_685, %swap3A_686], %swap3A_689 {strides = array<i32>} : memref<40x1024xf32, #tpu.memory_space<vmem>>, vector<1x16xf32>,
        %get3A_690 = arith.index_cast %scan3A_43 : i32 to index
        %get3A_691 = arith.constant 864 : index
        %get3A_692 = tpu.vector_load %arg4[%get3A_690, %get3A_691] {strides = array<i32>} : memref<40x1024xf32, #tpu.memory_space<vmem>>, vector<1x16xf32>,
        %get3A_693 = vector.shape_cast %get3A_692 : vector<1x16xf32> to vector<16xf32>
        %mul3A_694 = arith.constant 6.400000e+01 : f32
        %mul3A_695 = vector.broadcast %mul3A_694 : f32 to vector<16xf32>
        %mul3A_696 = arith.mulf %get3A_693, %mul3A_695 : vector<16xf32>
        %swap3A_697 = arith.index_cast %scan3A_43 : i32 to index
        %swap3A_698 = arith.constant 864 : index
        %swap3A_699 = tpu.vector_load %arg4[%swap3A_697, %swap3A_698] {strides = array<i32>} : memref<40x1024xf32, #tpu.memory_space<vmem>>, vector<1x16xf32>,
        %swap3A_700 = vector.shape_cast %swap3A_699 : vector<1x16xf32> to vector<16xf32>
        %swap3A_701 = vector.shape_cast %mul3A_696 : vector<16xf32> to vector<1x16xf32>
        tpu.vector_store %arg4[%swap3A_697, %swap3A_698], %swap3A_701 {strides = array<i32>} : memref<40x1024xf32, #tpu.memory_space<vmem>>, vector<1x16xf32>,
        %get3A_702 = arith.index_cast %scan3A_43 : i32 to index
        %get3A_703 = arith.constant 880 : index
        %get3A_704 = tpu.vector_load %arg4[%get3A_702, %get3A_703] {strides = array<i32>} : memref<40x1024xf32, #tpu.memory_space<vmem>>, vector<1x16xf32>,
        %get3A_705 = vector.shape_cast %get3A_704 : vector<1x16xf32> to vector<16xf32>
        %mul3A_706 = arith.constant 6.400000e+01 : f32
        %mul3A_707 = vector.broadcast %mul3A_706 : f32 to vector<16xf32>
        %mul3A_708 = arith.mulf %get3A_705, %mul3A_707 : vector<16xf32>
        %swap3A_709 = arith.index_cast %scan3A_43 : i32 to index
        %swap3A_710 = arith.constant 880 : index
        %swap3A_711 = tpu.vector_load %arg4[%swap3A_709, %swap3A_710] {strides = array<i32>} : memref<40x1024xf32, #tpu.memory_space<vmem>>, vector<1x16xf32>,
        %swap3A_712 = vector.shape_cast %swap3A_711 : vector<1x16xf32> to vector<16xf32>
        %swap3A_713 = vector.shape_cast %mul3A_708 : vector<16xf32> to vector<1x16xf32>
        tpu.vector_store %arg4[%swap3A_709, %swap3A_710], %swap3A_713 {strides = array<i32>} : memref<40x1024xf32, #tpu.memory_space<vmem>>, vector<1x16xf32>,
        %get3A_714 = arith.index_cast %scan3A_43 : i32 to index
        %get3A_715 = arith.constant 896 : index
        %get3A_716 = tpu.vector_load %arg4[%get3A_714, %get3A_715] {strides = array<i32>} : memref<40x1024xf32, #tpu.memory_space<vmem>>, vector<1x16xf32>,
        %get3A_717 = vector.shape_cast %get3A_716 : vector<1x16xf32> to vector<16xf32>
        %mul3A_718 = arith.constant 6.400000e+01 : f32
        %mul3A_719 = vector.broadcast %mul3A_718 : f32 to vector<16xf32>
        %mul3A_720 = arith.mulf %get3A_717, %mul3A_719 : vector<16xf32>
        %swap3A_721 = arith.index_cast %scan3A_43 : i32 to index
        %swap3A_722 = arith.constant 896 : index
        %swap3A_723 = tpu.vector_load %arg4[%swap3A_721, %swap3A_722] {strides = array<i32>} : memref<40x1024xf32, #tpu.memory_space<vmem>>, vector<1x16xf32>,
        %swap3A_724 = vector.shape_cast %swap3A_723 : vector<1x16xf32> to vector<16xf32>
        %swap3A_725 = vector.shape_cast %mul3A_720 : vector<16xf32> to vector<1x16xf32>
        tpu.vector_store %arg4[%swap3A_721, %swap3A_722], %swap3A_725 {strides = array<i32>} : memref<40x1024xf32, #tpu.memory_space<vmem>>, vector<1x16xf32>,
        %get3A_726 = arith.index_cast %scan3A_43 : i32 to index
        %get3A_727 = arith.constant 912 : index
        %get3A_728 = tpu.vector_load %arg4[%get3A_726, %get3A_727] {strides = array<i32>} : memref<40x1024xf32, #tpu.memory_space<vmem>>, vector<1x16xf32>,
        %get3A_729 = vector.shape_cast %get3A_728 : vector<1x16xf32> to vector<16xf32>
        %mul3A_730 = arith.constant 6.400000e+01 : f32
        %mul3A_731 = vector.broadcast %mul3A_730 : f32 to vector<16xf32>
        %mul3A_732 = arith.mulf %get3A_729, %mul3A_731 : vector<16xf32>
        %swap3A_733 = arith.index_cast %scan3A_43 : i32 to index
        %swap3A_734 = arith.constant 912 : index
        %swap3A_735 = tpu.vector_load %arg4[%swap3A_733, %swap3A_734] {strides = array<i32>} : memref<40x1024xf32, #tpu.memory_space<vmem>>, vector<1x16xf32>,
        %swap3A_736 = vector.shape_cast %swap3A_735 : vector<1x16xf32> to vector<16xf32>
        %swap3A_737 = vector.shape_cast %mul3A_732 : vector<16xf32> to vector<1x16xf32>
        tpu.vector_store %arg4[%swap3A_733, %swap3A_734], %swap3A_737 {strides = array<i32>} : memref<40x1024xf32, #tpu.memory_space<vmem>>, vector<1x16xf32>,
        %get3A_738 = arith.index_cast %scan3A_43 : i32 to index
        %get3A_739 = arith.constant 928 : index
        %get3A_740 = tpu.vector_load %arg4[%get3A_738, %get3A_739] {strides = array<i32>} : memref<40x1024xf32, #tpu.memory_space<vmem>>, vector<1x16xf32>,
        %get3A_741 = vector.shape_cast %get3A_740 : vector<1x16xf32> to vector<16xf32>
        %mul3A_742 = arith.constant 6.400000e+01 : f32
        %mul3A_743 = vector.broadcast %mul3A_742 : f32 to vector<16xf32>
        %mul3A_744 = arith.mulf %get3A_741, %mul3A_743 : vector<16xf32>
        %swap3A_745 = arith.index_cast %scan3A_43 : i32 to index
        %swap3A_746 = arith.constant 928 : index
        %swap3A_747 = tpu.vector_load %arg4[%swap3A_745, %swap3A_746] {strides = array<i32>} : memref<40x1024xf32, #tpu.memory_space<vmem>>, vector<1x16xf32>,
        %swap3A_748 = vector.shape_cast %swap3A_747 : vector<1x16xf32> to vector<16xf32>
        %swap3A_749 = vector.shape_cast %mul3A_744 : vector<16xf32> to vector<1x16xf32>
        tpu.vector_store %arg4[%swap3A_745, %swap3A_746], %swap3A_749 {strides = array<i32>} : memref<40x1024xf32, #tpu.memory_space<vmem>>, vector<1x16xf32>,
        %get3A_750 = arith.index_cast %scan3A_43 : i32 to index
        %get3A_751 = arith.constant 944 : index
        %get3A_752 = tpu.vector_load %arg4[%get3A_750, %get3A_751] {strides = array<i32>} : memref<40x1024xf32, #tpu.memory_space<vmem>>, vector<1x16xf32>,
        %get3A_753 = vector.shape_cast %get3A_752 : vector<1x16xf32> to vector<16xf32>
        %mul3A_754 = arith.constant 6.400000e+01 : f32
        %mul3A_755 = vector.broadcast %mul3A_754 : f32 to vector<16xf32>
        %mul3A_756 = arith.mulf %get3A_753, %mul3A_755 : vector<16xf32>
        %swap3A_757 = arith.index_cast %scan3A_43 : i32 to index
        %swap3A_758 = arith.constant 944 : index
        %swap3A_759 = tpu.vector_load %arg4[%swap3A_757, %swap3A_758] {strides = array<i32>} : memref<40x1024xf32, #tpu.memory_space<vmem>>, vector<1x16xf32>,
        %swap3A_760 = vector.shape_cast %swap3A_759 : vector<1x16xf32> to vector<16xf32>
        %swap3A_761 = vector.shape_cast %mul3A_756 : vector<16xf32> to vector<1x16xf32>
        tpu.vector_store %arg4[%swap3A_757, %swap3A_758], %swap3A_761 {strides = array<i32>} : memref<40x1024xf32, #tpu.memory_space<vmem>>, vector<1x16xf32>,
        %get3A_762 = arith.index_cast %scan3A_43 : i32 to index
        %get3A_763 = arith.constant 960 : index
        %get3A_764 = tpu.vector_load %arg4[%get3A_762, %get3A_763] {strides = array<i32>} : memref<40x1024xf32, #tpu.memory_space<vmem>>, vector<1x16xf32>,
        %get3A_765 = vector.shape_cast %get3A_764 : vector<1x16xf32> to vector<16xf32>
        %mul3A_766 = arith.constant 6.400000e+01 : f32
        %mul3A_767 = vector.broadcast %mul3A_766 : f32 to vector<16xf32>
        %mul3A_768 = arith.mulf %get3A_765, %mul3A_767 : vector<16xf32>
        %swap3A_769 = arith.index_cast %scan3A_43 : i32 to index
        %swap3A_770 = arith.constant 960 : index
        %swap3A_771 = tpu.vector_load %arg4[%swap3A_769, %swap3A_770] {strides = array<i32>} : memref<40x1024xf32, #tpu.memory_space<vmem>>, vector<1x16xf32>,
        %swap3A_772 = vector.shape_cast %swap3A_771 : vector<1x16xf32> to vector<16xf32>
        %swap3A_773 = vector.shape_cast %mul3A_768 : vector<16xf32> to vector<1x16xf32>
        tpu.vector_store %arg4[%swap3A_769, %swap3A_770], %swap3A_773 {strides = array<i32>} : memref<40x1024xf32, #tpu.memory_space<vmem>>, vector<1x16xf32>,
        %get3A_774 = arith.index_cast %scan3A_43 : i32 to index
        %get3A_775 = arith.constant 976 : index
        %get3A_776 = tpu.vector_load %arg4[%get3A_774, %get3A_775] {strides = array<i32>} : memref<40x1024xf32, #tpu.memory_space<vmem>>, vector<1x16xf32>,
        %get3A_777 = vector.shape_cast %get3A_776 : vector<1x16xf32> to vector<16xf32>
        %mul3A_778 = arith.constant 6.400000e+01 : f32
        %mul3A_779 = vector.broadcast %mul3A_778 : f32 to vector<16xf32>
        %mul3A_780 = arith.mulf %get3A_777, %mul3A_779 : vector<16xf32>
        %swap3A_781 = arith.index_cast %scan3A_43 : i32 to index
        %swap3A_782 = arith.constant 976 : index
        %swap3A_783 = tpu.vector_load %arg4[%swap3A_781, %swap3A_782] {strides = array<i32>} : memref<40x1024xf32, #tpu.memory_space<vmem>>, vector<1x16xf32>,
        %swap3A_784 = vector.shape_cast %swap3A_783 : vector<1x16xf32> to vector<16xf32>
        %swap3A_785 = vector.shape_cast %mul3A_780 : vector<16xf32> to vector<1x16xf32>
        tpu.vector_store %arg4[%swap3A_781, %swap3A_782], %swap3A_785 {strides = array<i32>} : memref<40x1024xf32, #tpu.memory_space<vmem>>, vector<1x16xf32>,
        %get3A_786 = arith.index_cast %scan3A_43 : i32 to index
        %get3A_787 = arith.constant 992 : index
        %get3A_788 = tpu.vector_load %arg4[%get3A_786, %get3A_787] {strides = array<i32>} : memref<40x1024xf32, #tpu.memory_space<vmem>>, vector<1x16xf32>,
        %get3A_789 = vector.shape_cast %get3A_788 : vector<1x16xf32> to vector<16xf32>
        %mul3A_790 = arith.constant 6.400000e+01 : f32
        %mul3A_791 = vector.broadcast %mul3A_790 : f32 to vector<16xf32>
        %mul3A_792 = arith.mulf %get3A_789, %mul3A_791 : vector<16xf32>
        %swap3A_793 = arith.index_cast %scan3A_43 : i32 to index
        %swap3A_794 = arith.constant 992 : index
        %swap3A_795 = tpu.vector_load %arg4[%swap3A_793, %swap3A_794] {strides = array<i32>} : memref<40x1024xf32, #tpu.memory_space<vmem>>, vector<1x16xf32>,
        %swap3A_796 = vector.shape_cast %swap3A_795 : vector<1x16xf32> to vector<16xf32>
        %swap3A_797 = vector.shape_cast %mul3A_792 : vector<16xf32> to vector<1x16xf32>
        tpu.vector_store %arg4[%swap3A_793, %swap3A_794], %swap3A_797 {strides = array<i32>} : memref<40x1024xf32, #tpu.memory_space<vmem>>, vector<1x16xf32>,
        %get3A_798 = arith.index_cast %scan3A_43 : i32 to index
        %get3A_799 = arith.constant 1008 : index
        %get3A_800 = tpu.vector_load %arg4[%get3A_798, %get3A_799] {strides = array<i32>} : memref<40x1024xf32, #tpu.memory_space<vmem>>, vector<1x16xf32>,
        %get3A_801 = vector.shape_cast %get3A_800 : vector<1x16xf32> to vector<16xf32>
        %mul3A_802 = arith.constant 6.400000e+01 : f32
        %mul3A_803 = vector.broadcast %mul3A_802 : f32 to vector<16xf32>
        %mul3A_804 = arith.mulf %get3A_801, %mul3A_803 : vector<16xf32>
        %swap3A_805 = arith.index_cast %scan3A_43 : i32 to index
        %swap3A_806 = arith.constant 1008 : index
        %swap3A_807 = tpu.vector_load %arg4[%swap3A_805, %swap3A_806] {strides = array<i32>} : memref<40x1024xf32, #tpu.memory_space<vmem>>, vector<1x16xf32>,
        %swap3A_808 = vector.shape_cast %swap3A_807 : vector<1x16xf32> to vector<16xf32>
        %swap3A_809 = vector.shape_cast %mul3A_804 : vector<16xf32> to vector<1x16xf32>
        tpu.vector_store %arg4[%swap3A_805, %swap3A_806], %swap3A_809 {strides = array<i32>} : memref<40x1024xf32, #tpu.memory_space<vmem>>, vector<1x16xf32>,
      }
      %scan3A_42 = arith.constant 40 : i32
      "tpu.region"() ({
        %run_scoped3A = tpu.sem_alloc : memref<!tpu.dma_semaphore, #tpu.memory_space<semaphore_mem>>
        %dma_start3A = arith.constant 0 : i32
        %dma_start3A_43 = tpu.memref_slice %arg3[%mul3A_37, %dma_start3A] : memref<100000x1024xf32, #tpu.memory_space<hbm>> -> memref<40x1024xf32, #tpu.memory_space<hbm>>
        %dma_start3A_44 = arith.constant 0 : i32
        %dma_start3A_45 = tpu.memref_slice %arg3[%mul3A_37, %dma_start3A_44] : memref<100000x1024xf32, #tpu.memory_space<hbm>> -> memref<40x1024xf32, #tpu.memory_space<hbm>>
        tpu.enqueue_dma source(%arg4 : memref<40x1024xf32, #tpu.memory_space<vmem>>) target(%dma_start3A_45 : memref<40x1024xf32, #tpu.memory_space<hbm>>) target_semaphore(%run_scoped3A : memref<!tpu.dma_semaphore, #tpu.memory_space<semaphore_mem>>)
        %dma_wait3A = arith.constant 0 : i32
        %dma_wait3A_46 = tpu.memref_slice %arg3[%mul3A_37, %dma_wait3A] : memref<100000x1024xf32, #tpu.memory_space<hbm>> -> memref<40x1024xf32, #tpu.memory_space<hbm>>
        %dma_wait3A_47 = arith.constant 0 : i32
        %dma_wait3A_48 = tpu.memref_slice %arg3[%mul3A_37, %dma_wait3A_47] : memref<100000x1024xf32, #tpu.memory_space<hbm>> -> memref<40x1024xf32, #tpu.memory_space<hbm>>
        tpu.wait_dma2 semaphore(%run_scoped3A : memref<!tpu.dma_semaphore, #tpu.memory_space<semaphore_mem>>) src(%arg4 : memref<40x1024xf32, #tpu.memory_space<vmem>>) dst(%dma_wait3A_48 : memref<40x1024xf32, #tpu.memory_space<hbm>>)
        tpu.yield
      }) : () -> ()
    }
    %while3A_31 = arith.constant 1 : i32
    scf.for %while3A_32 = %while3A_29 to %while3A_25 step %while3A_31  : i32 {
      %mul3A_33 = arith.constant 32 : i32
      %mul3A_34 = arith.muli %while3A_32, %mul3A_33 : i32
      %add3A_35 = arith.addi %add3A, %mul3A_34 : i32
      %mul3A_36 = arith.constant 40 : i32
      %mul3A_37 = arith.muli %add3A_35, %mul3A_36 : i32
      "tpu.region"() ({
        %run_scoped3A = tpu.sem_alloc : memref<!tpu.dma_semaphore, #tpu.memory_space<semaphore_mem>>
        %dma_start3A = arith.constant 0 : i32
        %dma_start3A_43 = tpu.memref_slice %arg2[%mul3A_37, %dma_start3A] : memref<100000x1024xf32, #tpu.memory_space<hbm>> -> memref<40x1024xf32, #tpu.memory_space<hbm>>
        %dma_start3A_44 = arith.constant 0 : i32
        %dma_start3A_45 = tpu.memref_slice %arg2[%mul3A_37, %dma_start3A_44] : memref<100000x1024xf32, #tpu.memory_space<hbm>> -> memref<40x1024xf32, #tpu.memory_space<hbm>>
        tpu.enqueue_dma source(%dma_start3A_45 : memref<40x1024xf32, #tpu.memory_space<hbm>>) target(%arg4 : memref<40x1024xf32, #tpu.memory_space<vmem>>) target_semaphore(%run_scoped3A : memref<!tpu.dma_semaphore, #tpu.memory_space<semaphore_mem>>)
        %dma_wait3A = arith.constant 0 : i32
        %dma_wait3A_46 = tpu.memref_slice %arg2[%mul3A_37, %dma_wait3A] : memref<100000x1024xf32, #tpu.memory_space<hbm>> -> memref<40x1024xf32, #tpu.memory_space<hbm>>
        %dma_wait3A_47 = arith.constant 0 : i32
        %dma_wait3A_48 = tpu.memref_slice %arg2[%mul3A_37, %dma_wait3A_47] : memref<100000x1024xf32, #tpu.memory_space<hbm>> -> memref<40x1024xf32, #tpu.memory_space<hbm>>
        tpu.wait_dma2 semaphore(%run_scoped3A : memref<!tpu.dma_semaphore, #tpu.memory_space<semaphore_mem>>) src(%dma_wait3A_48 : memref<40x1024xf32, #tpu.memory_space<hbm>>) dst(%arg4 : memref<40x1024xf32, #tpu.memory_space<vmem>>)
        tpu.yield
      }) : () -> ()
      %scan3A = arith.constant 0 : i32
      %scan3A_38 = arith.constant 0 : i32
      %scan3A_39 = arith.constant 40 : i32
      %scan3A_40 = arith.addi %scan3A_38, %scan3A_39 : i32
      %scan3A_41 = arith.constant 1 : i32
      scf.for %scan3A_43 = %scan3A_38 to %scan3A_40 step %scan3A_41  : i32 {
        %get3A = arith.index_cast %scan3A_43 : i32 to index
        %get3A_44 = arith.constant 0 : index
        %get3A_45 = tpu.vector_load %arg4[%get3A, %get3A_44] {strides = array<i32>} : memref<40x1024xf32, #tpu.memory_space<vmem>>, vector<1x16xf32>,
        %get3A_46 = vector.shape_cast %get3A_45 : vector<1x16xf32> to vector<16xf32>
        %mul3A_47 = arith.constant 6.400000e+01 : f32
        %mul3A_48 = vector.broadcast %mul3A_47 : f32 to vector<16xf32>
        %mul3A_49 = arith.mulf %get3A_46, %mul3A_48 : vector<16xf32>
        %swap3A = arith.index_cast %scan3A_43 : i32 to index
        %swap3A_50 = arith.constant 0 : index
        %swap3A_51 = tpu.vector_load %arg4[%swap3A, %swap3A_50] {strides = array<i32>} : memref<40x1024xf32, #tpu.memory_space<vmem>>, vector<1x16xf32>,
        %swap3A_52 = vector.shape_cast %swap3A_51 : vector<1x16xf32> to vector<16xf32>
        %swap3A_53 = vector.shape_cast %mul3A_49 : vector<16xf32> to vector<1x16xf32>
        tpu.vector_store %arg4[%swap3A, %swap3A_50], %swap3A_53 {strides = array<i32>} : memref<40x1024xf32, #tpu.memory_space<vmem>>, vector<1x16xf32>,
        %get3A_54 = arith.index_cast %scan3A_43 : i32 to index
        %get3A_55 = arith.constant 16 : index
        %get3A_56 = tpu.vector_load %arg4[%get3A_54, %get3A_55] {strides = array<i32>} : memref<40x1024xf32, #tpu.memory_space<vmem>>, vector<1x16xf32>,
        %get3A_57 = vector.shape_cast %get3A_56 : vector<1x16xf32> to vector<16xf32>
        %mul3A_58 = arith.constant 6.400000e+01 : f32
        %mul3A_59 = vector.broadcast %mul3A_58 : f32 to vector<16xf32>
        %mul3A_60 = arith.mulf %get3A_57, %mul3A_59 : vector<16xf32>
        %swap3A_61 = arith.index_cast %scan3A_43 : i32 to index
        %swap3A_62 = arith.constant 16 : index
        %swap3A_63 = tpu.vector_load %arg4[%swap3A_61, %swap3A_62] {strides = array<i32>} : memref<40x1024xf32, #tpu.memory_space<vmem>>, vector<1x16xf32>,
        %swap3A_64 = vector.shape_cast %swap3A_63 : vector<1x16xf32> to vector<16xf32>
        %swap3A_65 = vector.shape_cast %mul3A_60 : vector<16xf32> to vector<1x16xf32>
        tpu.vector_store %arg4[%swap3A_61, %swap3A_62], %swap3A_65 {strides = array<i32>} : memref<40x1024xf32, #tpu.memory_space<vmem>>, vector<1x16xf32>,
        %get3A_66 = arith.index_cast %scan3A_43 : i32 to index
        %get3A_67 = arith.constant 32 : index
        %get3A_68 = tpu.vector_load %arg4[%get3A_66, %get3A_67] {strides = array<i32>} : memref<40x1024xf32, #tpu.memory_space<vmem>>, vector<1x16xf32>,
        %get3A_69 = vector.shape_cast %get3A_68 : vector<1x16xf32> to vector<16xf32>
        %mul3A_70 = arith.constant 6.400000e+01 : f32
        %mul3A_71 = vector.broadcast %mul3A_70 : f32 to vector<16xf32>
        %mul3A_72 = arith.mulf %get3A_69, %mul3A_71 : vector<16xf32>
        %swap3A_73 = arith.index_cast %scan3A_43 : i32 to index
        %swap3A_74 = arith.constant 32 : index
        %swap3A_75 = tpu.vector_load %arg4[%swap3A_73, %swap3A_74] {strides = array<i32>} : memref<40x1024xf32, #tpu.memory_space<vmem>>, vector<1x16xf32>,
        %swap3A_76 = vector.shape_cast %swap3A_75 : vector<1x16xf32> to vector<16xf32>
        %swap3A_77 = vector.shape_cast %mul3A_72 : vector<16xf32> to vector<1x16xf32>
        tpu.vector_store %arg4[%swap3A_73, %swap3A_74], %swap3A_77 {strides = array<i32>} : memref<40x1024xf32, #tpu.memory_space<vmem>>, vector<1x16xf32>,
        %get3A_78 = arith.index_cast %scan3A_43 : i32 to index
        %get3A_79 = arith.constant 48 : index
        %get3A_80 = tpu.vector_load %arg4[%get3A_78, %get3A_79] {strides = array<i32>} : memref<40x1024xf32, #tpu.memory_space<vmem>>, vector<1x16xf32>,
        %get3A_81 = vector.shape_cast %get3A_80 : vector<1x16xf32> to vector<16xf32>
        %mul3A_82 = arith.constant 6.400000e+01 : f32
        %mul3A_83 = vector.broadcast %mul3A_82 : f32 to vector<16xf32>
        %mul3A_84 = arith.mulf %get3A_81, %mul3A_83 : vector<16xf32>
        %swap3A_85 = arith.index_cast %scan3A_43 : i32 to index
        %swap3A_86 = arith.constant 48 : index
        %swap3A_87 = tpu.vector_load %arg4[%swap3A_85, %swap3A_86] {strides = array<i32>} : memref<40x1024xf32, #tpu.memory_space<vmem>>, vector<1x16xf32>,
        %swap3A_88 = vector.shape_cast %swap3A_87 : vector<1x16xf32> to vector<16xf32>
        %swap3A_89 = vector.shape_cast %mul3A_84 : vector<16xf32> to vector<1x16xf32>
        tpu.vector_store %arg4[%swap3A_85, %swap3A_86], %swap3A_89 {strides = array<i32>} : memref<40x1024xf32, #tpu.memory_space<vmem>>, vector<1x16xf32>,
        %get3A_90 = arith.index_cast %scan3A_43 : i32 to index
        %get3A_91 = arith.constant 64 : index
        %get3A_92 = tpu.vector_load %arg4[%get3A_90, %get3A_91] {strides = array<i32>} : memref<40x1024xf32, #tpu.memory_space<vmem>>, vector<1x16xf32>,
        %get3A_93 = vector.shape_cast %get3A_92 : vector<1x16xf32> to vector<16xf32>
        %mul3A_94 = arith.constant 6.400000e+01 : f32
        %mul3A_95 = vector.broadcast %mul3A_94 : f32 to vector<16xf32>
        %mul3A_96 = arith.mulf %get3A_93, %mul3A_95 : vector<16xf32>
        %swap3A_97 = arith.index_cast %scan3A_43 : i32 to index
        %swap3A_98 = arith.constant 64 : index
        %swap3A_99 = tpu.vector_load %arg4[%swap3A_97, %swap3A_98] {strides = array<i32>} : memref<40x1024xf32, #tpu.memory_space<vmem>>, vector<1x16xf32>,
        %swap3A_100 = vector.shape_cast %swap3A_99 : vector<1x16xf32> to vector<16xf32>
        %swap3A_101 = vector.shape_cast %mul3A_96 : vector<16xf32> to vector<1x16xf32>
        tpu.vector_store %arg4[%swap3A_97, %swap3A_98], %swap3A_101 {strides = array<i32>} : memref<40x1024xf32, #tpu.memory_space<vmem>>, vector<1x16xf32>,
        %get3A_102 = arith.index_cast %scan3A_43 : i32 to index
        %get3A_103 = arith.constant 80 : index
        %get3A_104 = tpu.vector_load %arg4[%get3A_102, %get3A_103] {strides = array<i32>} : memref<40x1024xf32, #tpu.memory_space<vmem>>, vector<1x16xf32>,
        %get3A_105 = vector.shape_cast %get3A_104 : vector<1x16xf32> to vector<16xf32>
        %mul3A_106 = arith.constant 6.400000e+01 : f32
        %mul3A_107 = vector.broadcast %mul3A_106 : f32 to vector<16xf32>
        %mul3A_108 = arith.mulf %get3A_105, %mul3A_107 : vector<16xf32>
        %swap3A_109 = arith.index_cast %scan3A_43 : i32 to index
        %swap3A_110 = arith.constant 80 : index
        %swap3A_111 = tpu.vector_load %arg4[%swap3A_109, %swap3A_110] {strides = array<i32>} : memref<40x1024xf32, #tpu.memory_space<vmem>>, vector<1x16xf32>,
        %swap3A_112 = vector.shape_cast %swap3A_111 : vector<1x16xf32> to vector<16xf32>
        %swap3A_113 = vector.shape_cast %mul3A_108 : vector<16xf32> to vector<1x16xf32>
        tpu.vector_store %arg4[%swap3A_109, %swap3A_110], %swap3A_113 {strides = array<i32>} : memref<40x1024xf32, #tpu.memory_space<vmem>>, vector<1x16xf32>,
        %get3A_114 = arith.index_cast %scan3A_43 : i32 to index
        %get3A_115 = arith.constant 96 : index
        %get3A_116 = tpu.vector_load %arg4[%get3A_114, %get3A_115] {strides = array<i32>} : memref<40x1024xf32, #tpu.memory_space<vmem>>, vector<1x16xf32>,
        %get3A_117 = vector.shape_cast %get3A_116 : vector<1x16xf32> to vector<16xf32>
        %mul3A_118 = arith.constant 6.400000e+01 : f32
        %mul3A_119 = vector.broadcast %mul3A_118 : f32 to vector<16xf32>
        %mul3A_120 = arith.mulf %get3A_117, %mul3A_119 : vector<16xf32>
        %swap3A_121 = arith.index_cast %scan3A_43 : i32 to index
        %swap3A_122 = arith.constant 96 : index
        %swap3A_123 = tpu.vector_load %arg4[%swap3A_121, %swap3A_122] {strides = array<i32>} : memref<40x1024xf32, #tpu.memory_space<vmem>>, vector<1x16xf32>,
        %swap3A_124 = vector.shape_cast %swap3A_123 : vector<1x16xf32> to vector<16xf32>
        %swap3A_125 = vector.shape_cast %mul3A_120 : vector<16xf32> to vector<1x16xf32>
        tpu.vector_store %arg4[%swap3A_121, %swap3A_122], %swap3A_125 {strides = array<i32>} : memref<40x1024xf32, #tpu.memory_space<vmem>>, vector<1x16xf32>,
        %get3A_126 = arith.index_cast %scan3A_43 : i32 to index
        %get3A_127 = arith.constant 112 : index
        %get3A_128 = tpu.vector_load %arg4[%get3A_126, %get3A_127] {strides = array<i32>} : memref<40x1024xf32, #tpu.memory_space<vmem>>, vector<1x16xf32>,
        %get3A_129 = vector.shape_cast %get3A_128 : vector<1x16xf32> to vector<16xf32>
        %mul3A_130 = arith.constant 6.400000e+01 : f32
        %mul3A_131 = vector.broadcast %mul3A_130 : f32 to vector<16xf32>
        %mul3A_132 = arith.mulf %get3A_129, %mul3A_131 : vector<16xf32>
        %swap3A_133 = arith.index_cast %scan3A_43 : i32 to index
        %swap3A_134 = arith.constant 112 : index
        %swap3A_135 = tpu.vector_load %arg4[%swap3A_133, %swap3A_134] {strides = array<i32>} : memref<40x1024xf32, #tpu.memory_space<vmem>>, vector<1x16xf32>,
        %swap3A_136 = vector.shape_cast %swap3A_135 : vector<1x16xf32> to vector<16xf32>
        %swap3A_137 = vector.shape_cast %mul3A_132 : vector<16xf32> to vector<1x16xf32>
        tpu.vector_store %arg4[%swap3A_133, %swap3A_134], %swap3A_137 {strides = array<i32>} : memref<40x1024xf32, #tpu.memory_space<vmem>>, vector<1x16xf32>,
        %get3A_138 = arith.index_cast %scan3A_43 : i32 to index
        %get3A_139 = arith.constant 128 : index
        %get3A_140 = tpu.vector_load %arg4[%get3A_138, %get3A_139] {strides = array<i32>} : memref<40x1024xf32, #tpu.memory_space<vmem>>, vector<1x16xf32>,
        %get3A_141 = vector.shape_cast %get3A_140 : vector<1x16xf32> to vector<16xf32>
        %mul3A_142 = arith.constant 6.400000e+01 : f32
        %mul3A_143 = vector.broadcast %mul3A_142 : f32 to vector<16xf32>
        %mul3A_144 = arith.mulf %get3A_141, %mul3A_143 : vector<16xf32>
        %swap3A_145 = arith.index_cast %scan3A_43 : i32 to index
        %swap3A_146 = arith.constant 128 : index
        %swap3A_147 = tpu.vector_load %arg4[%swap3A_145, %swap3A_146] {strides = array<i32>} : memref<40x1024xf32, #tpu.memory_space<vmem>>, vector<1x16xf32>,
        %swap3A_148 = vector.shape_cast %swap3A_147 : vector<1x16xf32> to vector<16xf32>
        %swap3A_149 = vector.shape_cast %mul3A_144 : vector<16xf32> to vector<1x16xf32>
        tpu.vector_store %arg4[%swap3A_145, %swap3A_146], %swap3A_149 {strides = array<i32>} : memref<40x1024xf32, #tpu.memory_space<vmem>>, vector<1x16xf32>,
        %get3A_150 = arith.index_cast %scan3A_43 : i32 to index
        %get3A_151 = arith.constant 144 : index
        %get3A_152 = tpu.vector_load %arg4[%get3A_150, %get3A_151] {strides = array<i32>} : memref<40x1024xf32, #tpu.memory_space<vmem>>, vector<1x16xf32>,
        %get3A_153 = vector.shape_cast %get3A_152 : vector<1x16xf32> to vector<16xf32>
        %mul3A_154 = arith.constant 6.400000e+01 : f32
        %mul3A_155 = vector.broadcast %mul3A_154 : f32 to vector<16xf32>
        %mul3A_156 = arith.mulf %get3A_153, %mul3A_155 : vector<16xf32>
        %swap3A_157 = arith.index_cast %scan3A_43 : i32 to index
        %swap3A_158 = arith.constant 144 : index
        %swap3A_159 = tpu.vector_load %arg4[%swap3A_157, %swap3A_158] {strides = array<i32>} : memref<40x1024xf32, #tpu.memory_space<vmem>>, vector<1x16xf32>,
        %swap3A_160 = vector.shape_cast %swap3A_159 : vector<1x16xf32> to vector<16xf32>
        %swap3A_161 = vector.shape_cast %mul3A_156 : vector<16xf32> to vector<1x16xf32>
        tpu.vector_store %arg4[%swap3A_157, %swap3A_158], %swap3A_161 {strides = array<i32>} : memref<40x1024xf32, #tpu.memory_space<vmem>>, vector<1x16xf32>,
        %get3A_162 = arith.index_cast %scan3A_43 : i32 to index
        %get3A_163 = arith.constant 160 : index
        %get3A_164 = tpu.vector_load %arg4[%get3A_162, %get3A_163] {strides = array<i32>} : memref<40x1024xf32, #tpu.memory_space<vmem>>, vector<1x16xf32>,
        %get3A_165 = vector.shape_cast %get3A_164 : vector<1x16xf32> to vector<16xf32>
        %mul3A_166 = arith.constant 6.400000e+01 : f32
        %mul3A_167 = vector.broadcast %mul3A_166 : f32 to vector<16xf32>
        %mul3A_168 = arith.mulf %get3A_165, %mul3A_167 : vector<16xf32>
        %swap3A_169 = arith.index_cast %scan3A_43 : i32 to index
        %swap3A_170 = arith.constant 160 : index
        %swap3A_171 = tpu.vector_load %arg4[%swap3A_169, %swap3A_170] {strides = array<i32>} : memref<40x1024xf32, #tpu.memory_space<vmem>>, vector<1x16xf32>,
        %swap3A_172 = vector.shape_cast %swap3A_171 : vector<1x16xf32> to vector<16xf32>
        %swap3A_173 = vector.shape_cast %mul3A_168 : vector<16xf32> to vector<1x16xf32>
        tpu.vector_store %arg4[%swap3A_169, %swap3A_170], %swap3A_173 {strides = array<i32>} : memref<40x1024xf32, #tpu.memory_space<vmem>>, vector<1x16xf32>,
        %get3A_174 = arith.index_cast %scan3A_43 : i32 to index
        %get3A_175 = arith.constant 176 : index
        %get3A_176 = tpu.vector_load %arg4[%get3A_174, %get3A_175] {strides = array<i32>} : memref<40x1024xf32, #tpu.memory_space<vmem>>, vector<1x16xf32>,
        %get3A_177 = vector.shape_cast %get3A_176 : vector<1x16xf32> to vector<16xf32>
        %mul3A_178 = arith.constant 6.400000e+01 : f32
        %mul3A_179 = vector.broadcast %mul3A_178 : f32 to vector<16xf32>
        %mul3A_180 = arith.mulf %get3A_177, %mul3A_179 : vector<16xf32>
        %swap3A_181 = arith.index_cast %scan3A_43 : i32 to index
        %swap3A_182 = arith.constant 176 : index
        %swap3A_183 = tpu.vector_load %arg4[%swap3A_181, %swap3A_182] {strides = array<i32>} : memref<40x1024xf32, #tpu.memory_space<vmem>>, vector<1x16xf32>,
        %swap3A_184 = vector.shape_cast %swap3A_183 : vector<1x16xf32> to vector<16xf32>
        %swap3A_185 = vector.shape_cast %mul3A_180 : vector<16xf32> to vector<1x16xf32>
        tpu.vector_store %arg4[%swap3A_181, %swap3A_182], %swap3A_185 {strides = array<i32>} : memref<40x1024xf32, #tpu.memory_space<vmem>>, vector<1x16xf32>,
        %get3A_186 = arith.index_cast %scan3A_43 : i32 to index
        %get3A_187 = arith.constant 192 : index
        %get3A_188 = tpu.vector_load %arg4[%get3A_186, %get3A_187] {strides = array<i32>} : memref<40x1024xf32, #tpu.memory_space<vmem>>, vector<1x16xf32>,
        %get3A_189 = vector.shape_cast %get3A_188 : vector<1x16xf32> to vector<16xf32>
        %mul3A_190 = arith.constant 6.400000e+01 : f32
        %mul3A_191 = vector.broadcast %mul3A_190 : f32 to vector<16xf32>
        %mul3A_192 = arith.mulf %get3A_189, %mul3A_191 : vector<16xf32>
        %swap3A_193 = arith.index_cast %scan3A_43 : i32 to index
        %swap3A_194 = arith.constant 192 : index
        %swap3A_195 = tpu.vector_load %arg4[%swap3A_193, %swap3A_194] {strides = array<i32>} : memref<40x1024xf32, #tpu.memory_space<vmem>>, vector<1x16xf32>,
        %swap3A_196 = vector.shape_cast %swap3A_195 : vector<1x16xf32> to vector<16xf32>
        %swap3A_197 = vector.shape_cast %mul3A_192 : vector<16xf32> to vector<1x16xf32>
        tpu.vector_store %arg4[%swap3A_193, %swap3A_194], %swap3A_197 {strides = array<i32>} : memref<40x1024xf32, #tpu.memory_space<vmem>>, vector<1x16xf32>,
        %get3A_198 = arith.index_cast %scan3A_43 : i32 to index
        %get3A_199 = arith.constant 208 : index
        %get3A_200 = tpu.vector_load %arg4[%get3A_198, %get3A_199] {strides = array<i32>} : memref<40x1024xf32, #tpu.memory_space<vmem>>, vector<1x16xf32>,
        %get3A_201 = vector.shape_cast %get3A_200 : vector<1x16xf32> to vector<16xf32>
        %mul3A_202 = arith.constant 6.400000e+01 : f32
        %mul3A_203 = vector.broadcast %mul3A_202 : f32 to vector<16xf32>
        %mul3A_204 = arith.mulf %get3A_201, %mul3A_203 : vector<16xf32>
        %swap3A_205 = arith.index_cast %scan3A_43 : i32 to index
        %swap3A_206 = arith.constant 208 : index
        %swap3A_207 = tpu.vector_load %arg4[%swap3A_205, %swap3A_206] {strides = array<i32>} : memref<40x1024xf32, #tpu.memory_space<vmem>>, vector<1x16xf32>,
        %swap3A_208 = vector.shape_cast %swap3A_207 : vector<1x16xf32> to vector<16xf32>
        %swap3A_209 = vector.shape_cast %mul3A_204 : vector<16xf32> to vector<1x16xf32>
        tpu.vector_store %arg4[%swap3A_205, %swap3A_206], %swap3A_209 {strides = array<i32>} : memref<40x1024xf32, #tpu.memory_space<vmem>>, vector<1x16xf32>,
        %get3A_210 = arith.index_cast %scan3A_43 : i32 to index
        %get3A_211 = arith.constant 224 : index
        %get3A_212 = tpu.vector_load %arg4[%get3A_210, %get3A_211] {strides = array<i32>} : memref<40x1024xf32, #tpu.memory_space<vmem>>, vector<1x16xf32>,
        %get3A_213 = vector.shape_cast %get3A_212 : vector<1x16xf32> to vector<16xf32>
        %mul3A_214 = arith.constant 6.400000e+01 : f32
        %mul3A_215 = vector.broadcast %mul3A_214 : f32 to vector<16xf32>
        %mul3A_216 = arith.mulf %get3A_213, %mul3A_215 : vector<16xf32>
        %swap3A_217 = arith.index_cast %scan3A_43 : i32 to index
        %swap3A_218 = arith.constant 224 : index
        %swap3A_219 = tpu.vector_load %arg4[%swap3A_217, %swap3A_218] {strides = array<i32>} : memref<40x1024xf32, #tpu.memory_space<vmem>>, vector<1x16xf32>,
        %swap3A_220 = vector.shape_cast %swap3A_219 : vector<1x16xf32> to vector<16xf32>
        %swap3A_221 = vector.shape_cast %mul3A_216 : vector<16xf32> to vector<1x16xf32>
        tpu.vector_store %arg4[%swap3A_217, %swap3A_218], %swap3A_221 {strides = array<i32>} : memref<40x1024xf32, #tpu.memory_space<vmem>>, vector<1x16xf32>,
        %get3A_222 = arith.index_cast %scan3A_43 : i32 to index
        %get3A_223 = arith.constant 240 : index
        %get3A_224 = tpu.vector_load %arg4[%get3A_222, %get3A_223] {strides = array<i32>} : memref<40x1024xf32, #tpu.memory_space<vmem>>, vector<1x16xf32>,
        %get3A_225 = vector.shape_cast %get3A_224 : vector<1x16xf32> to vector<16xf32>
        %mul3A_226 = arith.constant 6.400000e+01 : f32
        %mul3A_227 = vector.broadcast %mul3A_226 : f32 to vector<16xf32>
        %mul3A_228 = arith.mulf %get3A_225, %mul3A_227 : vector<16xf32>
        %swap3A_229 = arith.index_cast %scan3A_43 : i32 to index
        %swap3A_230 = arith.constant 240 : index
        %swap3A_231 = tpu.vector_load %arg4[%swap3A_229, %swap3A_230] {strides = array<i32>} : memref<40x1024xf32, #tpu.memory_space<vmem>>, vector<1x16xf32>,
        %swap3A_232 = vector.shape_cast %swap3A_231 : vector<1x16xf32> to vector<16xf32>
        %swap3A_233 = vector.shape_cast %mul3A_228 : vector<16xf32> to vector<1x16xf32>
        tpu.vector_store %arg4[%swap3A_229, %swap3A_230], %swap3A_233 {strides = array<i32>} : memref<40x1024xf32, #tpu.memory_space<vmem>>, vector<1x16xf32>,
        %get3A_234 = arith.index_cast %scan3A_43 : i32 to index
        %get3A_235 = arith.constant 256 : index
        %get3A_236 = tpu.vector_load %arg4[%get3A_234, %get3A_235] {strides = array<i32>} : memref<40x1024xf32, #tpu.memory_space<vmem>>, vector<1x16xf32>,
        %get3A_237 = vector.shape_cast %get3A_236 : vector<1x16xf32> to vector<16xf32>
        %mul3A_238 = arith.constant 6.400000e+01 : f32
        %mul3A_239 = vector.broadcast %mul3A_238 : f32 to vector<16xf32>
        %mul3A_240 = arith.mulf %get3A_237, %mul3A_239 : vector<16xf32>
        %swap3A_241 = arith.index_cast %scan3A_43 : i32 to index
        %swap3A_242 = arith.constant 256 : index
        %swap3A_243 = tpu.vector_load %arg4[%swap3A_241, %swap3A_242] {strides = array<i32>} : memref<40x1024xf32, #tpu.memory_space<vmem>>, vector<1x16xf32>,
        %swap3A_244 = vector.shape_cast %swap3A_243 : vector<1x16xf32> to vector<16xf32>
        %swap3A_245 = vector.shape_cast %mul3A_240 : vector<16xf32> to vector<1x16xf32>
        tpu.vector_store %arg4[%swap3A_241, %swap3A_242], %swap3A_245 {strides = array<i32>} : memref<40x1024xf32, #tpu.memory_space<vmem>>, vector<1x16xf32>,
        %get3A_246 = arith.index_cast %scan3A_43 : i32 to index
        %get3A_247 = arith.constant 272 : index
        %get3A_248 = tpu.vector_load %arg4[%get3A_246, %get3A_247] {strides = array<i32>} : memref<40x1024xf32, #tpu.memory_space<vmem>>, vector<1x16xf32>,
        %get3A_249 = vector.shape_cast %get3A_248 : vector<1x16xf32> to vector<16xf32>
        %mul3A_250 = arith.constant 6.400000e+01 : f32
        %mul3A_251 = vector.broadcast %mul3A_250 : f32 to vector<16xf32>
        %mul3A_252 = arith.mulf %get3A_249, %mul3A_251 : vector<16xf32>
        %swap3A_253 = arith.index_cast %scan3A_43 : i32 to index
        %swap3A_254 = arith.constant 272 : index
        %swap3A_255 = tpu.vector_load %arg4[%swap3A_253, %swap3A_254] {strides = array<i32>} : memref<40x1024xf32, #tpu.memory_space<vmem>>, vector<1x16xf32>,
        %swap3A_256 = vector.shape_cast %swap3A_255 : vector<1x16xf32> to vector<16xf32>
        %swap3A_257 = vector.shape_cast %mul3A_252 : vector<16xf32> to vector<1x16xf32>
        tpu.vector_store %arg4[%swap3A_253, %swap3A_254], %swap3A_257 {strides = array<i32>} : memref<40x1024xf32, #tpu.memory_space<vmem>>, vector<1x16xf32>,
        %get3A_258 = arith.index_cast %scan3A_43 : i32 to index
        %get3A_259 = arith.constant 288 : index
        %get3A_260 = tpu.vector_load %arg4[%get3A_258, %get3A_259] {strides = array<i32>} : memref<40x1024xf32, #tpu.memory_space<vmem>>, vector<1x16xf32>,
        %get3A_261 = vector.shape_cast %get3A_260 : vector<1x16xf32> to vector<16xf32>
        %mul3A_262 = arith.constant 6.400000e+01 : f32
        %mul3A_263 = vector.broadcast %mul3A_262 : f32 to vector<16xf32>
        %mul3A_264 = arith.mulf %get3A_261, %mul3A_263 : vector<16xf32>
        %swap3A_265 = arith.index_cast %scan3A_43 : i32 to index
        %swap3A_266 = arith.constant 288 : index
        %swap3A_267 = tpu.vector_load %arg4[%swap3A_265, %swap3A_266] {strides = array<i32>} : memref<40x1024xf32, #tpu.memory_space<vmem>>, vector<1x16xf32>,
        %swap3A_268 = vector.shape_cast %swap3A_267 : vector<1x16xf32> to vector<16xf32>
        %swap3A_269 = vector.shape_cast %mul3A_264 : vector<16xf32> to vector<1x16xf32>
        tpu.vector_store %arg4[%swap3A_265, %swap3A_266], %swap3A_269 {strides = array<i32>} : memref<40x1024xf32, #tpu.memory_space<vmem>>, vector<1x16xf32>,
        %get3A_270 = arith.index_cast %scan3A_43 : i32 to index
        %get3A_271 = arith.constant 304 : index
        %get3A_272 = tpu.vector_load %arg4[%get3A_270, %get3A_271] {strides = array<i32>} : memref<40x1024xf32, #tpu.memory_space<vmem>>, vector<1x16xf32>,
        %get3A_273 = vector.shape_cast %get3A_272 : vector<1x16xf32> to vector<16xf32>
        %mul3A_274 = arith.constant 6.400000e+01 : f32
        %mul3A_275 = vector.broadcast %mul3A_274 : f32 to vector<16xf32>
        %mul3A_276 = arith.mulf %get3A_273, %mul3A_275 : vector<16xf32>
        %swap3A_277 = arith.index_cast %scan3A_43 : i32 to index
        %swap3A_278 = arith.constant 304 : index
        %swap3A_279 = tpu.vector_load %arg4[%swap3A_277, %swap3A_278] {strides = array<i32>} : memref<40x1024xf32, #tpu.memory_space<vmem>>, vector<1x16xf32>,
        %swap3A_280 = vector.shape_cast %swap3A_279 : vector<1x16xf32> to vector<16xf32>
        %swap3A_281 = vector.shape_cast %mul3A_276 : vector<16xf32> to vector<1x16xf32>
        tpu.vector_store %arg4[%swap3A_277, %swap3A_278], %swap3A_281 {strides = array<i32>} : memref<40x1024xf32, #tpu.memory_space<vmem>>, vector<1x16xf32>,
        %get3A_282 = arith.index_cast %scan3A_43 : i32 to index
        %get3A_283 = arith.constant 320 : index
        %get3A_284 = tpu.vector_load %arg4[%get3A_282, %get3A_283] {strides = array<i32>} : memref<40x1024xf32, #tpu.memory_space<vmem>>, vector<1x16xf32>,
        %get3A_285 = vector.shape_cast %get3A_284 : vector<1x16xf32> to vector<16xf32>
        %mul3A_286 = arith.constant 6.400000e+01 : f32
        %mul3A_287 = vector.broadcast %mul3A_286 : f32 to vector<16xf32>
        %mul3A_288 = arith.mulf %get3A_285, %mul3A_287 : vector<16xf32>
        %swap3A_289 = arith.index_cast %scan3A_43 : i32 to index
        %swap3A_290 = arith.constant 320 : index
        %swap3A_291 = tpu.vector_load %arg4[%swap3A_289, %swap3A_290] {strides = array<i32>} : memref<40x1024xf32, #tpu.memory_space<vmem>>, vector<1x16xf32>,
        %swap3A_292 = vector.shape_cast %swap3A_291 : vector<1x16xf32> to vector<16xf32>
        %swap3A_293 = vector.shape_cast %mul3A_288 : vector<16xf32> to vector<1x16xf32>
        tpu.vector_store %arg4[%swap3A_289, %swap3A_290], %swap3A_293 {strides = array<i32>} : memref<40x1024xf32, #tpu.memory_space<vmem>>, vector<1x16xf32>,
        %get3A_294 = arith.index_cast %scan3A_43 : i32 to index
        %get3A_295 = arith.constant 336 : index
        %get3A_296 = tpu.vector_load %arg4[%get3A_294, %get3A_295] {strides = array<i32>} : memref<40x1024xf32, #tpu.memory_space<vmem>>, vector<1x16xf32>,
        %get3A_297 = vector.shape_cast %get3A_296 : vector<1x16xf32> to vector<16xf32>
        %mul3A_298 = arith.constant 6.400000e+01 : f32
        %mul3A_299 = vector.broadcast %mul3A_298 : f32 to vector<16xf32>
        %mul3A_300 = arith.mulf %get3A_297, %mul3A_299 : vector<16xf32>
        %swap3A_301 = arith.index_cast %scan3A_43 : i32 to index
        %swap3A_302 = arith.constant 336 : index
        %swap3A_303 = tpu.vector_load %arg4[%swap3A_301, %swap3A_302] {strides = array<i32>} : memref<40x1024xf32, #tpu.memory_space<vmem>>, vector<1x16xf32>,
        %swap3A_304 = vector.shape_cast %swap3A_303 : vector<1x16xf32> to vector<16xf32>
        %swap3A_305 = vector.shape_cast %mul3A_300 : vector<16xf32> to vector<1x16xf32>
        tpu.vector_store %arg4[%swap3A_301, %swap3A_302], %swap3A_305 {strides = array<i32>} : memref<40x1024xf32, #tpu.memory_space<vmem>>, vector<1x16xf32>,
        %get3A_306 = arith.index_cast %scan3A_43 : i32 to index
        %get3A_307 = arith.constant 352 : index
        %get3A_308 = tpu.vector_load %arg4[%get3A_306, %get3A_307] {strides = array<i32>} : memref<40x1024xf32, #tpu.memory_space<vmem>>, vector<1x16xf32>,
        %get3A_309 = vector.shape_cast %get3A_308 : vector<1x16xf32> to vector<16xf32>
        %mul3A_310 = arith.constant 6.400000e+01 : f32
        %mul3A_311 = vector.broadcast %mul3A_310 : f32 to vector<16xf32>
        %mul3A_312 = arith.mulf %get3A_309, %mul3A_311 : vector<16xf32>
        %swap3A_313 = arith.index_cast %scan3A_43 : i32 to index
        %swap3A_314 = arith.constant 352 : index
        %swap3A_315 = tpu.vector_load %arg4[%swap3A_313, %swap3A_314] {strides = array<i32>} : memref<40x1024xf32, #tpu.memory_space<vmem>>, vector<1x16xf32>,
        %swap3A_316 = vector.shape_cast %swap3A_315 : vector<1x16xf32> to vector<16xf32>
        %swap3A_317 = vector.shape_cast %mul3A_312 : vector<16xf32> to vector<1x16xf32>
        tpu.vector_store %arg4[%swap3A_313, %swap3A_314], %swap3A_317 {strides = array<i32>} : memref<40x1024xf32, #tpu.memory_space<vmem>>, vector<1x16xf32>,
        %get3A_318 = arith.index_cast %scan3A_43 : i32 to index
        %get3A_319 = arith.constant 368 : index
        %get3A_320 = tpu.vector_load %arg4[%get3A_318, %get3A_319] {strides = array<i32>} : memref<40x1024xf32, #tpu.memory_space<vmem>>, vector<1x16xf32>,
        %get3A_321 = vector.shape_cast %get3A_320 : vector<1x16xf32> to vector<16xf32>
        %mul3A_322 = arith.constant 6.400000e+01 : f32
        %mul3A_323 = vector.broadcast %mul3A_322 : f32 to vector<16xf32>
        %mul3A_324 = arith.mulf %get3A_321, %mul3A_323 : vector<16xf32>
        %swap3A_325 = arith.index_cast %scan3A_43 : i32 to index
        %swap3A_326 = arith.constant 368 : index
        %swap3A_327 = tpu.vector_load %arg4[%swap3A_325, %swap3A_326] {strides = array<i32>} : memref<40x1024xf32, #tpu.memory_space<vmem>>, vector<1x16xf32>,
        %swap3A_328 = vector.shape_cast %swap3A_327 : vector<1x16xf32> to vector<16xf32>
        %swap3A_329 = vector.shape_cast %mul3A_324 : vector<16xf32> to vector<1x16xf32>
        tpu.vector_store %arg4[%swap3A_325, %swap3A_326], %swap3A_329 {strides = array<i32>} : memref<40x1024xf32, #tpu.memory_space<vmem>>, vector<1x16xf32>,
        %get3A_330 = arith.index_cast %scan3A_43 : i32 to index
        %get3A_331 = arith.constant 384 : index
        %get3A_332 = tpu.vector_load %arg4[%get3A_330, %get3A_331] {strides = array<i32>} : memref<40x1024xf32, #tpu.memory_space<vmem>>, vector<1x16xf32>,
        %get3A_333 = vector.shape_cast %get3A_332 : vector<1x16xf32> to vector<16xf32>
        %mul3A_334 = arith.constant 6.400000e+01 : f32
        %mul3A_335 = vector.broadcast %mul3A_334 : f32 to vector<16xf32>
        %mul3A_336 = arith.mulf %get3A_333, %mul3A_335 : vector<16xf32>
        %swap3A_337 = arith.index_cast %scan3A_43 : i32 to index
        %swap3A_338 = arith.constant 384 : index
        %swap3A_339 = tpu.vector_load %arg4[%swap3A_337, %swap3A_338] {strides = array<i32>} : memref<40x1024xf32, #tpu.memory_space<vmem>>, vector<1x16xf32>,
        %swap3A_340 = vector.shape_cast %swap3A_339 : vector<1x16xf32> to vector<16xf32>
        %swap3A_341 = vector.shape_cast %mul3A_336 : vector<16xf32> to vector<1x16xf32>
        tpu.vector_store %arg4[%swap3A_337, %swap3A_338], %swap3A_341 {strides = array<i32>} : memref<40x1024xf32, #tpu.memory_space<vmem>>, vector<1x16xf32>,
        %get3A_342 = arith.index_cast %scan3A_43 : i32 to index
        %get3A_343 = arith.constant 400 : index
        %get3A_344 = tpu.vector_load %arg4[%get3A_342, %get3A_343] {strides = array<i32>} : memref<40x1024xf32, #tpu.memory_space<vmem>>, vector<1x16xf32>,
        %get3A_345 = vector.shape_cast %get3A_344 : vector<1x16xf32> to vector<16xf32>
        %mul3A_346 = arith.constant 6.400000e+01 : f32
        %mul3A_347 = vector.broadcast %mul3A_346 : f32 to vector<16xf32>
        %mul3A_348 = arith.mulf %get3A_345, %mul3A_347 : vector<16xf32>
        %swap3A_349 = arith.index_cast %scan3A_43 : i32 to index
        %swap3A_350 = arith.constant 400 : index
        %swap3A_351 = tpu.vector_load %arg4[%swap3A_349, %swap3A_350] {strides = array<i32>} : memref<40x1024xf32, #tpu.memory_space<vmem>>, vector<1x16xf32>,
        %swap3A_352 = vector.shape_cast %swap3A_351 : vector<1x16xf32> to vector<16xf32>
        %swap3A_353 = vector.shape_cast %mul3A_348 : vector<16xf32> to vector<1x16xf32>
        tpu.vector_store %arg4[%swap3A_349, %swap3A_350], %swap3A_353 {strides = array<i32>} : memref<40x1024xf32, #tpu.memory_space<vmem>>, vector<1x16xf32>,
        %get3A_354 = arith.index_cast %scan3A_43 : i32 to index
        %get3A_355 = arith.constant 416 : index
        %get3A_356 = tpu.vector_load %arg4[%get3A_354, %get3A_355] {strides = array<i32>} : memref<40x1024xf32, #tpu.memory_space<vmem>>, vector<1x16xf32>,
        %get3A_357 = vector.shape_cast %get3A_356 : vector<1x16xf32> to vector<16xf32>
        %mul3A_358 = arith.constant 6.400000e+01 : f32
        %mul3A_359 = vector.broadcast %mul3A_358 : f32 to vector<16xf32>
        %mul3A_360 = arith.mulf %get3A_357, %mul3A_359 : vector<16xf32>
        %swap3A_361 = arith.index_cast %scan3A_43 : i32 to index
        %swap3A_362 = arith.constant 416 : index
        %swap3A_363 = tpu.vector_load %arg4[%swap3A_361, %swap3A_362] {strides = array<i32>} : memref<40x1024xf32, #tpu.memory_space<vmem>>, vector<1x16xf32>,
        %swap3A_364 = vector.shape_cast %swap3A_363 : vector<1x16xf32> to vector<16xf32>
        %swap3A_365 = vector.shape_cast %mul3A_360 : vector<16xf32> to vector<1x16xf32>
        tpu.vector_store %arg4[%swap3A_361, %swap3A_362], %swap3A_365 {strides = array<i32>} : memref<40x1024xf32, #tpu.memory_space<vmem>>, vector<1x16xf32>,
        %get3A_366 = arith.index_cast %scan3A_43 : i32 to index
        %get3A_367 = arith.constant 432 : index
        %get3A_368 = tpu.vector_load %arg4[%get3A_366, %get3A_367] {strides = array<i32>} : memref<40x1024xf32, #tpu.memory_space<vmem>>, vector<1x16xf32>,
        %get3A_369 = vector.shape_cast %get3A_368 : vector<1x16xf32> to vector<16xf32>
        %mul3A_370 = arith.constant 6.400000e+01 : f32
        %mul3A_371 = vector.broadcast %mul3A_370 : f32 to vector<16xf32>
        %mul3A_372 = arith.mulf %get3A_369, %mul3A_371 : vector<16xf32>
        %swap3A_373 = arith.index_cast %scan3A_43 : i32 to index
        %swap3A_374 = arith.constant 432 : index
        %swap3A_375 = tpu.vector_load %arg4[%swap3A_373, %swap3A_374] {strides = array<i32>} : memref<40x1024xf32, #tpu.memory_space<vmem>>, vector<1x16xf32>,
        %swap3A_376 = vector.shape_cast %swap3A_375 : vector<1x16xf32> to vector<16xf32>
        %swap3A_377 = vector.shape_cast %mul3A_372 : vector<16xf32> to vector<1x16xf32>
        tpu.vector_store %arg4[%swap3A_373, %swap3A_374], %swap3A_377 {strides = array<i32>} : memref<40x1024xf32, #tpu.memory_space<vmem>>, vector<1x16xf32>,
        %get3A_378 = arith.index_cast %scan3A_43 : i32 to index
        %get3A_379 = arith.constant 448 : index
        %get3A_380 = tpu.vector_load %arg4[%get3A_378, %get3A_379] {strides = array<i32>} : memref<40x1024xf32, #tpu.memory_space<vmem>>, vector<1x16xf32>,
        %get3A_381 = vector.shape_cast %get3A_380 : vector<1x16xf32> to vector<16xf32>
        %mul3A_382 = arith.constant 6.400000e+01 : f32
        %mul3A_383 = vector.broadcast %mul3A_382 : f32 to vector<16xf32>
        %mul3A_384 = arith.mulf %get3A_381, %mul3A_383 : vector<16xf32>
        %swap3A_385 = arith.index_cast %scan3A_43 : i32 to index
        %swap3A_386 = arith.constant 448 : index
        %swap3A_387 = tpu.vector_load %arg4[%swap3A_385, %swap3A_386] {strides = array<i32>} : memref<40x1024xf32, #tpu.memory_space<vmem>>, vector<1x16xf32>,
        %swap3A_388 = vector.shape_cast %swap3A_387 : vector<1x16xf32> to vector<16xf32>
        %swap3A_389 = vector.shape_cast %mul3A_384 : vector<16xf32> to vector<1x16xf32>
        tpu.vector_store %arg4[%swap3A_385, %swap3A_386], %swap3A_389 {strides = array<i32>} : memref<40x1024xf32, #tpu.memory_space<vmem>>, vector<1x16xf32>,
        %get3A_390 = arith.index_cast %scan3A_43 : i32 to index
        %get3A_391 = arith.constant 464 : index
        %get3A_392 = tpu.vector_load %arg4[%get3A_390, %get3A_391] {strides = array<i32>} : memref<40x1024xf32, #tpu.memory_space<vmem>>, vector<1x16xf32>,
        %get3A_393 = vector.shape_cast %get3A_392 : vector<1x16xf32> to vector<16xf32>
        %mul3A_394 = arith.constant 6.400000e+01 : f32
        %mul3A_395 = vector.broadcast %mul3A_394 : f32 to vector<16xf32>
        %mul3A_396 = arith.mulf %get3A_393, %mul3A_395 : vector<16xf32>
        %swap3A_397 = arith.index_cast %scan3A_43 : i32 to index
        %swap3A_398 = arith.constant 464 : index
        %swap3A_399 = tpu.vector_load %arg4[%swap3A_397, %swap3A_398] {strides = array<i32>} : memref<40x1024xf32, #tpu.memory_space<vmem>>, vector<1x16xf32>,
        %swap3A_400 = vector.shape_cast %swap3A_399 : vector<1x16xf32> to vector<16xf32>
        %swap3A_401 = vector.shape_cast %mul3A_396 : vector<16xf32> to vector<1x16xf32>
        tpu.vector_store %arg4[%swap3A_397, %swap3A_398], %swap3A_401 {strides = array<i32>} : memref<40x1024xf32, #tpu.memory_space<vmem>>, vector<1x16xf32>,
        %get3A_402 = arith.index_cast %scan3A_43 : i32 to index
        %get3A_403 = arith.constant 480 : index
        %get3A_404 = tpu.vector_load %arg4[%get3A_402, %get3A_403] {strides = array<i32>} : memref<40x1024xf32, #tpu.memory_space<vmem>>, vector<1x16xf32>,
        %get3A_405 = vector.shape_cast %get3A_404 : vector<1x16xf32> to vector<16xf32>
        %mul3A_406 = arith.constant 6.400000e+01 : f32
        %mul3A_407 = vector.broadcast %mul3A_406 : f32 to vector<16xf32>
        %mul3A_408 = arith.mulf %get3A_405, %mul3A_407 : vector<16xf32>
        %swap3A_409 = arith.index_cast %scan3A_43 : i32 to index
        %swap3A_410 = arith.constant 480 : index
        %swap3A_411 = tpu.vector_load %arg4[%swap3A_409, %swap3A_410] {strides = array<i32>} : memref<40x1024xf32, #tpu.memory_space<vmem>>, vector<1x16xf32>,
        %swap3A_412 = vector.shape_cast %swap3A_411 : vector<1x16xf32> to vector<16xf32>
        %swap3A_413 = vector.shape_cast %mul3A_408 : vector<16xf32> to vector<1x16xf32>
        tpu.vector_store %arg4[%swap3A_409, %swap3A_410], %swap3A_413 {strides = array<i32>} : memref<40x1024xf32, #tpu.memory_space<vmem>>, vector<1x16xf32>,
        %get3A_414 = arith.index_cast %scan3A_43 : i32 to index
        %get3A_415 = arith.constant 496 : index
        %get3A_416 = tpu.vector_load %arg4[%get3A_414, %get3A_415] {strides = array<i32>} : memref<40x1024xf32, #tpu.memory_space<vmem>>, vector<1x16xf32>,
        %get3A_417 = vector.shape_cast %get3A_416 : vector<1x16xf32> to vector<16xf32>
        %mul3A_418 = arith.constant 6.400000e+01 : f32
        %mul3A_419 = vector.broadcast %mul3A_418 : f32 to vector<16xf32>
        %mul3A_420 = arith.mulf %get3A_417, %mul3A_419 : vector<16xf32>
        %swap3A_421 = arith.index_cast %scan3A_43 : i32 to index
        %swap3A_422 = arith.constant 496 : index
        %swap3A_423 = tpu.vector_load %arg4[%swap3A_421, %swap3A_422] {strides = array<i32>} : memref<40x1024xf32, #tpu.memory_space<vmem>>, vector<1x16xf32>,
        %swap3A_424 = vector.shape_cast %swap3A_423 : vector<1x16xf32> to vector<16xf32>
        %swap3A_425 = vector.shape_cast %mul3A_420 : vector<16xf32> to vector<1x16xf32>
        tpu.vector_store %arg4[%swap3A_421, %swap3A_422], %swap3A_425 {strides = array<i32>} : memref<40x1024xf32, #tpu.memory_space<vmem>>, vector<1x16xf32>,
        %get3A_426 = arith.index_cast %scan3A_43 : i32 to index
        %get3A_427 = arith.constant 512 : index
        %get3A_428 = tpu.vector_load %arg4[%get3A_426, %get3A_427] {strides = array<i32>} : memref<40x1024xf32, #tpu.memory_space<vmem>>, vector<1x16xf32>,
        %get3A_429 = vector.shape_cast %get3A_428 : vector<1x16xf32> to vector<16xf32>
        %mul3A_430 = arith.constant 6.400000e+01 : f32
        %mul3A_431 = vector.broadcast %mul3A_430 : f32 to vector<16xf32>
        %mul3A_432 = arith.mulf %get3A_429, %mul3A_431 : vector<16xf32>
        %swap3A_433 = arith.index_cast %scan3A_43 : i32 to index
        %swap3A_434 = arith.constant 512 : index
        %swap3A_435 = tpu.vector_load %arg4[%swap3A_433, %swap3A_434] {strides = array<i32>} : memref<40x1024xf32, #tpu.memory_space<vmem>>, vector<1x16xf32>,
        %swap3A_436 = vector.shape_cast %swap3A_435 : vector<1x16xf32> to vector<16xf32>
        %swap3A_437 = vector.shape_cast %mul3A_432 : vector<16xf32> to vector<1x16xf32>
        tpu.vector_store %arg4[%swap3A_433, %swap3A_434], %swap3A_437 {strides = array<i32>} : memref<40x1024xf32, #tpu.memory_space<vmem>>, vector<1x16xf32>,
        %get3A_438 = arith.index_cast %scan3A_43 : i32 to index
        %get3A_439 = arith.constant 528 : index
        %get3A_440 = tpu.vector_load %arg4[%get3A_438, %get3A_439] {strides = array<i32>} : memref<40x1024xf32, #tpu.memory_space<vmem>>, vector<1x16xf32>,
        %get3A_441 = vector.shape_cast %get3A_440 : vector<1x16xf32> to vector<16xf32>
        %mul3A_442 = arith.constant 6.400000e+01 : f32
        %mul3A_443 = vector.broadcast %mul3A_442 : f32 to vector<16xf32>
        %mul3A_444 = arith.mulf %get3A_441, %mul3A_443 : vector<16xf32>
        %swap3A_445 = arith.index_cast %scan3A_43 : i32 to index
        %swap3A_446 = arith.constant 528 : index
        %swap3A_447 = tpu.vector_load %arg4[%swap3A_445, %swap3A_446] {strides = array<i32>} : memref<40x1024xf32, #tpu.memory_space<vmem>>, vector<1x16xf32>,
        %swap3A_448 = vector.shape_cast %swap3A_447 : vector<1x16xf32> to vector<16xf32>
        %swap3A_449 = vector.shape_cast %mul3A_444 : vector<16xf32> to vector<1x16xf32>
        tpu.vector_store %arg4[%swap3A_445, %swap3A_446], %swap3A_449 {strides = array<i32>} : memref<40x1024xf32, #tpu.memory_space<vmem>>, vector<1x16xf32>,
        %get3A_450 = arith.index_cast %scan3A_43 : i32 to index
        %get3A_451 = arith.constant 544 : index
        %get3A_452 = tpu.vector_load %arg4[%get3A_450, %get3A_451] {strides = array<i32>} : memref<40x1024xf32, #tpu.memory_space<vmem>>, vector<1x16xf32>,
        %get3A_453 = vector.shape_cast %get3A_452 : vector<1x16xf32> to vector<16xf32>
        %mul3A_454 = arith.constant 6.400000e+01 : f32
        %mul3A_455 = vector.broadcast %mul3A_454 : f32 to vector<16xf32>
        %mul3A_456 = arith.mulf %get3A_453, %mul3A_455 : vector<16xf32>
        %swap3A_457 = arith.index_cast %scan3A_43 : i32 to index
        %swap3A_458 = arith.constant 544 : index
        %swap3A_459 = tpu.vector_load %arg4[%swap3A_457, %swap3A_458] {strides = array<i32>} : memref<40x1024xf32, #tpu.memory_space<vmem>>, vector<1x16xf32>,
        %swap3A_460 = vector.shape_cast %swap3A_459 : vector<1x16xf32> to vector<16xf32>
        %swap3A_461 = vector.shape_cast %mul3A_456 : vector<16xf32> to vector<1x16xf32>
        tpu.vector_store %arg4[%swap3A_457, %swap3A_458], %swap3A_461 {strides = array<i32>} : memref<40x1024xf32, #tpu.memory_space<vmem>>, vector<1x16xf32>,
        %get3A_462 = arith.index_cast %scan3A_43 : i32 to index
        %get3A_463 = arith.constant 560 : index
        %get3A_464 = tpu.vector_load %arg4[%get3A_462, %get3A_463] {strides = array<i32>} : memref<40x1024xf32, #tpu.memory_space<vmem>>, vector<1x16xf32>,
        %get3A_465 = vector.shape_cast %get3A_464 : vector<1x16xf32> to vector<16xf32>
        %mul3A_466 = arith.constant 6.400000e+01 : f32
        %mul3A_467 = vector.broadcast %mul3A_466 : f32 to vector<16xf32>
        %mul3A_468 = arith.mulf %get3A_465, %mul3A_467 : vector<16xf32>
        %swap3A_469 = arith.index_cast %scan3A_43 : i32 to index
        %swap3A_470 = arith.constant 560 : index
        %swap3A_471 = tpu.vector_load %arg4[%swap3A_469, %swap3A_470] {strides = array<i32>} : memref<40x1024xf32, #tpu.memory_space<vmem>>, vector<1x16xf32>,
        %swap3A_472 = vector.shape_cast %swap3A_471 : vector<1x16xf32> to vector<16xf32>
        %swap3A_473 = vector.shape_cast %mul3A_468 : vector<16xf32> to vector<1x16xf32>
        tpu.vector_store %arg4[%swap3A_469, %swap3A_470], %swap3A_473 {strides = array<i32>} : memref<40x1024xf32, #tpu.memory_space<vmem>>, vector<1x16xf32>,
        %get3A_474 = arith.index_cast %scan3A_43 : i32 to index
        %get3A_475 = arith.constant 576 : index
        %get3A_476 = tpu.vector_load %arg4[%get3A_474, %get3A_475] {strides = array<i32>} : memref<40x1024xf32, #tpu.memory_space<vmem>>, vector<1x16xf32>,
        %get3A_477 = vector.shape_cast %get3A_476 : vector<1x16xf32> to vector<16xf32>
        %mul3A_478 = arith.constant 6.400000e+01 : f32
        %mul3A_479 = vector.broadcast %mul3A_478 : f32 to vector<16xf32>
        %mul3A_480 = arith.mulf %get3A_477, %mul3A_479 : vector<16xf32>
        %swap3A_481 = arith.index_cast %scan3A_43 : i32 to index
        %swap3A_482 = arith.constant 576 : index
        %swap3A_483 = tpu.vector_load %arg4[%swap3A_481, %swap3A_482] {strides = array<i32>} : memref<40x1024xf32, #tpu.memory_space<vmem>>, vector<1x16xf32>,
        %swap3A_484 = vector.shape_cast %swap3A_483 : vector<1x16xf32> to vector<16xf32>
        %swap3A_485 = vector.shape_cast %mul3A_480 : vector<16xf32> to vector<1x16xf32>
        tpu.vector_store %arg4[%swap3A_481, %swap3A_482], %swap3A_485 {strides = array<i32>} : memref<40x1024xf32, #tpu.memory_space<vmem>>, vector<1x16xf32>,
        %get3A_486 = arith.index_cast %scan3A_43 : i32 to index
        %get3A_487 = arith.constant 592 : index
        %get3A_488 = tpu.vector_load %arg4[%get3A_486, %get3A_487] {strides = array<i32>} : memref<40x1024xf32, #tpu.memory_space<vmem>>, vector<1x16xf32>,
        %get3A_489 = vector.shape_cast %get3A_488 : vector<1x16xf32> to vector<16xf32>
        %mul3A_490 = arith.constant 6.400000e+01 : f32
        %mul3A_491 = vector.broadcast %mul3A_490 : f32 to vector<16xf32>
        %mul3A_492 = arith.mulf %get3A_489, %mul3A_491 : vector<16xf32>
        %swap3A_493 = arith.index_cast %scan3A_43 : i32 to index
        %swap3A_494 = arith.constant 592 : index
        %swap3A_495 = tpu.vector_load %arg4[%swap3A_493, %swap3A_494] {strides = array<i32>} : memref<40x1024xf32, #tpu.memory_space<vmem>>, vector<1x16xf32>,
        %swap3A_496 = vector.shape_cast %swap3A_495 : vector<1x16xf32> to vector<16xf32>
        %swap3A_497 = vector.shape_cast %mul3A_492 : vector<16xf32> to vector<1x16xf32>
        tpu.vector_store %arg4[%swap3A_493, %swap3A_494], %swap3A_497 {strides = array<i32>} : memref<40x1024xf32, #tpu.memory_space<vmem>>, vector<1x16xf32>,
        %get3A_498 = arith.index_cast %scan3A_43 : i32 to index
        %get3A_499 = arith.constant 608 : index
        %get3A_500 = tpu.vector_load %arg4[%get3A_498, %get3A_499] {strides = array<i32>} : memref<40x1024xf32, #tpu.memory_space<vmem>>, vector<1x16xf32>,
        %get3A_501 = vector.shape_cast %get3A_500 : vector<1x16xf32> to vector<16xf32>
        %mul3A_502 = arith.constant 6.400000e+01 : f32
        %mul3A_503 = vector.broadcast %mul3A_502 : f32 to vector<16xf32>
        %mul3A_504 = arith.mulf %get3A_501, %mul3A_503 : vector<16xf32>
        %swap3A_505 = arith.index_cast %scan3A_43 : i32 to index
        %swap3A_506 = arith.constant 608 : index
        %swap3A_507 = tpu.vector_load %arg4[%swap3A_505, %swap3A_506] {strides = array<i32>} : memref<40x1024xf32, #tpu.memory_space<vmem>>, vector<1x16xf32>,
        %swap3A_508 = vector.shape_cast %swap3A_507 : vector<1x16xf32> to vector<16xf32>
        %swap3A_509 = vector.shape_cast %mul3A_504 : vector<16xf32> to vector<1x16xf32>
        tpu.vector_store %arg4[%swap3A_505, %swap3A_506], %swap3A_509 {strides = array<i32>} : memref<40x1024xf32, #tpu.memory_space<vmem>>, vector<1x16xf32>,
        %get3A_510 = arith.index_cast %scan3A_43 : i32 to index
        %get3A_511 = arith.constant 624 : index
        %get3A_512 = tpu.vector_load %arg4[%get3A_510, %get3A_511] {strides = array<i32>} : memref<40x1024xf32, #tpu.memory_space<vmem>>, vector<1x16xf32>,
        %get3A_513 = vector.shape_cast %get3A_512 : vector<1x16xf32> to vector<16xf32>
        %mul3A_514 = arith.constant 6.400000e+01 : f32
        %mul3A_515 = vector.broadcast %mul3A_514 : f32 to vector<16xf32>
        %mul3A_516 = arith.mulf %get3A_513, %mul3A_515 : vector<16xf32>
        %swap3A_517 = arith.index_cast %scan3A_43 : i32 to index
        %swap3A_518 = arith.constant 624 : index
        %swap3A_519 = tpu.vector_load %arg4[%swap3A_517, %swap3A_518] {strides = array<i32>} : memref<40x1024xf32, #tpu.memory_space<vmem>>, vector<1x16xf32>,
        %swap3A_520 = vector.shape_cast %swap3A_519 : vector<1x16xf32> to vector<16xf32>
        %swap3A_521 = vector.shape_cast %mul3A_516 : vector<16xf32> to vector<1x16xf32>
        tpu.vector_store %arg4[%swap3A_517, %swap3A_518], %swap3A_521 {strides = array<i32>} : memref<40x1024xf32, #tpu.memory_space<vmem>>, vector<1x16xf32>,
        %get3A_522 = arith.index_cast %scan3A_43 : i32 to index
        %get3A_523 = arith.constant 640 : index
        %get3A_524 = tpu.vector_load %arg4[%get3A_522, %get3A_523] {strides = array<i32>} : memref<40x1024xf32, #tpu.memory_space<vmem>>, vector<1x16xf32>,
        %get3A_525 = vector.shape_cast %get3A_524 : vector<1x16xf32> to vector<16xf32>
        %mul3A_526 = arith.constant 6.400000e+01 : f32
        %mul3A_527 = vector.broadcast %mul3A_526 : f32 to vector<16xf32>
        %mul3A_528 = arith.mulf %get3A_525, %mul3A_527 : vector<16xf32>
        %swap3A_529 = arith.index_cast %scan3A_43 : i32 to index
        %swap3A_530 = arith.constant 640 : index
        %swap3A_531 = tpu.vector_load %arg4[%swap3A_529, %swap3A_530] {strides = array<i32>} : memref<40x1024xf32, #tpu.memory_space<vmem>>, vector<1x16xf32>,
        %swap3A_532 = vector.shape_cast %swap3A_531 : vector<1x16xf32> to vector<16xf32>
        %swap3A_533 = vector.shape_cast %mul3A_528 : vector<16xf32> to vector<1x16xf32>
        tpu.vector_store %arg4[%swap3A_529, %swap3A_530], %swap3A_533 {strides = array<i32>} : memref<40x1024xf32, #tpu.memory_space<vmem>>, vector<1x16xf32>,
        %get3A_534 = arith.index_cast %scan3A_43 : i32 to index
        %get3A_535 = arith.constant 656 : index
        %get3A_536 = tpu.vector_load %arg4[%get3A_534, %get3A_535] {strides = array<i32>} : memref<40x1024xf32, #tpu.memory_space<vmem>>, vector<1x16xf32>,
        %get3A_537 = vector.shape_cast %get3A_536 : vector<1x16xf32> to vector<16xf32>
        %mul3A_538 = arith.constant 6.400000e+01 : f32
        %mul3A_539 = vector.broadcast %mul3A_538 : f32 to vector<16xf32>
        %mul3A_540 = arith.mulf %get3A_537, %mul3A_539 : vector<16xf32>
        %swap3A_541 = arith.index_cast %scan3A_43 : i32 to index
        %swap3A_542 = arith.constant 656 : index
        %swap3A_543 = tpu.vector_load %arg4[%swap3A_541, %swap3A_542] {strides = array<i32>} : memref<40x1024xf32, #tpu.memory_space<vmem>>, vector<1x16xf32>,
        %swap3A_544 = vector.shape_cast %swap3A_543 : vector<1x16xf32> to vector<16xf32>
        %swap3A_545 = vector.shape_cast %mul3A_540 : vector<16xf32> to vector<1x16xf32>
        tpu.vector_store %arg4[%swap3A_541, %swap3A_542], %swap3A_545 {strides = array<i32>} : memref<40x1024xf32, #tpu.memory_space<vmem>>, vector<1x16xf32>,
        %get3A_546 = arith.index_cast %scan3A_43 : i32 to index
        %get3A_547 = arith.constant 672 : index
        %get3A_548 = tpu.vector_load %arg4[%get3A_546, %get3A_547] {strides = array<i32>} : memref<40x1024xf32, #tpu.memory_space<vmem>>, vector<1x16xf32>,
        %get3A_549 = vector.shape_cast %get3A_548 : vector<1x16xf32> to vector<16xf32>
        %mul3A_550 = arith.constant 6.400000e+01 : f32
        %mul3A_551 = vector.broadcast %mul3A_550 : f32 to vector<16xf32>
        %mul3A_552 = arith.mulf %get3A_549, %mul3A_551 : vector<16xf32>
        %swap3A_553 = arith.index_cast %scan3A_43 : i32 to index
        %swap3A_554 = arith.constant 672 : index
        %swap3A_555 = tpu.vector_load %arg4[%swap3A_553, %swap3A_554] {strides = array<i32>} : memref<40x1024xf32, #tpu.memory_space<vmem>>, vector<1x16xf32>,
        %swap3A_556 = vector.shape_cast %swap3A_555 : vector<1x16xf32> to vector<16xf32>
        %swap3A_557 = vector.shape_cast %mul3A_552 : vector<16xf32> to vector<1x16xf32>
        tpu.vector_store %arg4[%swap3A_553, %swap3A_554], %swap3A_557 {strides = array<i32>} : memref<40x1024xf32, #tpu.memory_space<vmem>>, vector<1x16xf32>,
        %get3A_558 = arith.index_cast %scan3A_43 : i32 to index
        %get3A_559 = arith.constant 688 : index
        %get3A_560 = tpu.vector_load %arg4[%get3A_558, %get3A_559] {strides = array<i32>} : memref<40x1024xf32, #tpu.memory_space<vmem>>, vector<1x16xf32>,
        %get3A_561 = vector.shape_cast %get3A_560 : vector<1x16xf32> to vector<16xf32>
        %mul3A_562 = arith.constant 6.400000e+01 : f32
        %mul3A_563 = vector.broadcast %mul3A_562 : f32 to vector<16xf32>
        %mul3A_564 = arith.mulf %get3A_561, %mul3A_563 : vector<16xf32>
        %swap3A_565 = arith.index_cast %scan3A_43 : i32 to index
        %swap3A_566 = arith.constant 688 : index
        %swap3A_567 = tpu.vector_load %arg4[%swap3A_565, %swap3A_566] {strides = array<i32>} : memref<40x1024xf32, #tpu.memory_space<vmem>>, vector<1x16xf32>,
        %swap3A_568 = vector.shape_cast %swap3A_567 : vector<1x16xf32> to vector<16xf32>
        %swap3A_569 = vector.shape_cast %mul3A_564 : vector<16xf32> to vector<1x16xf32>
        tpu.vector_store %arg4[%swap3A_565, %swap3A_566], %swap3A_569 {strides = array<i32>} : memref<40x1024xf32, #tpu.memory_space<vmem>>, vector<1x16xf32>,
        %get3A_570 = arith.index_cast %scan3A_43 : i32 to index
        %get3A_571 = arith.constant 704 : index
        %get3A_572 = tpu.vector_load %arg4[%get3A_570, %get3A_571] {strides = array<i32>} : memref<40x1024xf32, #tpu.memory_space<vmem>>, vector<1x16xf32>,
        %get3A_573 = vector.shape_cast %get3A_572 : vector<1x16xf32> to vector<16xf32>
        %mul3A_574 = arith.constant 6.400000e+01 : f32
        %mul3A_575 = vector.broadcast %mul3A_574 : f32 to vector<16xf32>
        %mul3A_576 = arith.mulf %get3A_573, %mul3A_575 : vector<16xf32>
        %swap3A_577 = arith.index_cast %scan3A_43 : i32 to index
        %swap3A_578 = arith.constant 704 : index
        %swap3A_579 = tpu.vector_load %arg4[%swap3A_577, %swap3A_578] {strides = array<i32>} : memref<40x1024xf32, #tpu.memory_space<vmem>>, vector<1x16xf32>,
        %swap3A_580 = vector.shape_cast %swap3A_579 : vector<1x16xf32> to vector<16xf32>
        %swap3A_581 = vector.shape_cast %mul3A_576 : vector<16xf32> to vector<1x16xf32>
        tpu.vector_store %arg4[%swap3A_577, %swap3A_578], %swap3A_581 {strides = array<i32>} : memref<40x1024xf32, #tpu.memory_space<vmem>>, vector<1x16xf32>,
        %get3A_582 = arith.index_cast %scan3A_43 : i32 to index
        %get3A_583 = arith.constant 720 : index
        %get3A_584 = tpu.vector_load %arg4[%get3A_582, %get3A_583] {strides = array<i32>} : memref<40x1024xf32, #tpu.memory_space<vmem>>, vector<1x16xf32>,
        %get3A_585 = vector.shape_cast %get3A_584 : vector<1x16xf32> to vector<16xf32>
        %mul3A_586 = arith.constant 6.400000e+01 : f32
        %mul3A_587 = vector.broadcast %mul3A_586 : f32 to vector<16xf32>
        %mul3A_588 = arith.mulf %get3A_585, %mul3A_587 : vector<16xf32>
        %swap3A_589 = arith.index_cast %scan3A_43 : i32 to index
        %swap3A_590 = arith.constant 720 : index
        %swap3A_591 = tpu.vector_load %arg4[%swap3A_589, %swap3A_590] {strides = array<i32>} : memref<40x1024xf32, #tpu.memory_space<vmem>>, vector<1x16xf32>,
        %swap3A_592 = vector.shape_cast %swap3A_591 : vector<1x16xf32> to vector<16xf32>
        %swap3A_593 = vector.shape_cast %mul3A_588 : vector<16xf32> to vector<1x16xf32>
        tpu.vector_store %arg4[%swap3A_589, %swap3A_590], %swap3A_593 {strides = array<i32>} : memref<40x1024xf32, #tpu.memory_space<vmem>>, vector<1x16xf32>,
        %get3A_594 = arith.index_cast %scan3A_43 : i32 to index
        %get3A_595 = arith.constant 736 : index
        %get3A_596 = tpu.vector_load %arg4[%get3A_594, %get3A_595] {strides = array<i32>} : memref<40x1024xf32, #tpu.memory_space<vmem>>, vector<1x16xf32>,
        %get3A_597 = vector.shape_cast %get3A_596 : vector<1x16xf32> to vector<16xf32>
        %mul3A_598 = arith.constant 6.400000e+01 : f32
        %mul3A_599 = vector.broadcast %mul3A_598 : f32 to vector<16xf32>
        %mul3A_600 = arith.mulf %get3A_597, %mul3A_599 : vector<16xf32>
        %swap3A_601 = arith.index_cast %scan3A_43 : i32 to index
        %swap3A_602 = arith.constant 736 : index
        %swap3A_603 = tpu.vector_load %arg4[%swap3A_601, %swap3A_602] {strides = array<i32>} : memref<40x1024xf32, #tpu.memory_space<vmem>>, vector<1x16xf32>,
        %swap3A_604 = vector.shape_cast %swap3A_603 : vector<1x16xf32> to vector<16xf32>
        %swap3A_605 = vector.shape_cast %mul3A_600 : vector<16xf32> to vector<1x16xf32>
        tpu.vector_store %arg4[%swap3A_601, %swap3A_602], %swap3A_605 {strides = array<i32>} : memref<40x1024xf32, #tpu.memory_space<vmem>>, vector<1x16xf32>,
        %get3A_606 = arith.index_cast %scan3A_43 : i32 to index
        %get3A_607 = arith.constant 752 : index
        %get3A_608 = tpu.vector_load %arg4[%get3A_606, %get3A_607] {strides = array<i32>} : memref<40x1024xf32, #tpu.memory_space<vmem>>, vector<1x16xf32>,
        %get3A_609 = vector.shape_cast %get3A_608 : vector<1x16xf32> to vector<16xf32>
        %mul3A_610 = arith.constant 6.400000e+01 : f32
        %mul3A_611 = vector.broadcast %mul3A_610 : f32 to vector<16xf32>
        %mul3A_612 = arith.mulf %get3A_609, %mul3A_611 : vector<16xf32>
        %swap3A_613 = arith.index_cast %scan3A_43 : i32 to index
        %swap3A_614 = arith.constant 752 : index
        %swap3A_615 = tpu.vector_load %arg4[%swap3A_613, %swap3A_614] {strides = array<i32>} : memref<40x1024xf32, #tpu.memory_space<vmem>>, vector<1x16xf32>,
        %swap3A_616 = vector.shape_cast %swap3A_615 : vector<1x16xf32> to vector<16xf32>
        %swap3A_617 = vector.shape_cast %mul3A_612 : vector<16xf32> to vector<1x16xf32>
        tpu.vector_store %arg4[%swap3A_613, %swap3A_614], %swap3A_617 {strides = array<i32>} : memref<40x1024xf32, #tpu.memory_space<vmem>>, vector<1x16xf32>,
        %get3A_618 = arith.index_cast %scan3A_43 : i32 to index
        %get3A_619 = arith.constant 768 : index
        %get3A_620 = tpu.vector_load %arg4[%get3A_618, %get3A_619] {strides = array<i32>} : memref<40x1024xf32, #tpu.memory_space<vmem>>, vector<1x16xf32>,
        %get3A_621 = vector.shape_cast %get3A_620 : vector<1x16xf32> to vector<16xf32>
        %mul3A_622 = arith.constant 6.400000e+01 : f32
        %mul3A_623 = vector.broadcast %mul3A_622 : f32 to vector<16xf32>
        %mul3A_624 = arith.mulf %get3A_621, %mul3A_623 : vector<16xf32>
        %swap3A_625 = arith.index_cast %scan3A_43 : i32 to index
        %swap3A_626 = arith.constant 768 : index
        %swap3A_627 = tpu.vector_load %arg4[%swap3A_625, %swap3A_626] {strides = array<i32>} : memref<40x1024xf32, #tpu.memory_space<vmem>>, vector<1x16xf32>,
        %swap3A_628 = vector.shape_cast %swap3A_627 : vector<1x16xf32> to vector<16xf32>
        %swap3A_629 = vector.shape_cast %mul3A_624 : vector<16xf32> to vector<1x16xf32>
        tpu.vector_store %arg4[%swap3A_625, %swap3A_626], %swap3A_629 {strides = array<i32>} : memref<40x1024xf32, #tpu.memory_space<vmem>>, vector<1x16xf32>,
        %get3A_630 = arith.index_cast %scan3A_43 : i32 to index
        %get3A_631 = arith.constant 784 : index
        %get3A_632 = tpu.vector_load %arg4[%get3A_630, %get3A_631] {strides = array<i32>} : memref<40x1024xf32, #tpu.memory_space<vmem>>, vector<1x16xf32>,
        %get3A_633 = vector.shape_cast %get3A_632 : vector<1x16xf32> to vector<16xf32>
        %mul3A_634 = arith.constant 6.400000e+01 : f32
        %mul3A_635 = vector.broadcast %mul3A_634 : f32 to vector<16xf32>
        %mul3A_636 = arith.mulf %get3A_633, %mul3A_635 : vector<16xf32>
        %swap3A_637 = arith.index_cast %scan3A_43 : i32 to index
        %swap3A_638 = arith.constant 784 : index
        %swap3A_639 = tpu.vector_load %arg4[%swap3A_637, %swap3A_638] {strides = array<i32>} : memref<40x1024xf32, #tpu.memory_space<vmem>>, vector<1x16xf32>,
        %swap3A_640 = vector.shape_cast %swap3A_639 : vector<1x16xf32> to vector<16xf32>
        %swap3A_641 = vector.shape_cast %mul3A_636 : vector<16xf32> to vector<1x16xf32>
        tpu.vector_store %arg4[%swap3A_637, %swap3A_638], %swap3A_641 {strides = array<i32>} : memref<40x1024xf32, #tpu.memory_space<vmem>>, vector<1x16xf32>,
        %get3A_642 = arith.index_cast %scan3A_43 : i32 to index
        %get3A_643 = arith.constant 800 : index
        %get3A_644 = tpu.vector_load %arg4[%get3A_642, %get3A_643] {strides = array<i32>} : memref<40x1024xf32, #tpu.memory_space<vmem>>, vector<1x16xf32>,
        %get3A_645 = vector.shape_cast %get3A_644 : vector<1x16xf32> to vector<16xf32>
        %mul3A_646 = arith.constant 6.400000e+01 : f32
        %mul3A_647 = vector.broadcast %mul3A_646 : f32 to vector<16xf32>
        %mul3A_648 = arith.mulf %get3A_645, %mul3A_647 : vector<16xf32>
        %swap3A_649 = arith.index_cast %scan3A_43 : i32 to index
        %swap3A_650 = arith.constant 800 : index
        %swap3A_651 = tpu.vector_load %arg4[%swap3A_649, %swap3A_650] {strides = array<i32>} : memref<40x1024xf32, #tpu.memory_space<vmem>>, vector<1x16xf32>,
        %swap3A_652 = vector.shape_cast %swap3A_651 : vector<1x16xf32> to vector<16xf32>
        %swap3A_653 = vector.shape_cast %mul3A_648 : vector<16xf32> to vector<1x16xf32>
        tpu.vector_store %arg4[%swap3A_649, %swap3A_650], %swap3A_653 {strides = array<i32>} : memref<40x1024xf32, #tpu.memory_space<vmem>>, vector<1x16xf32>,
        %get3A_654 = arith.index_cast %scan3A_43 : i32 to index
        %get3A_655 = arith.constant 816 : index
        %get3A_656 = tpu.vector_load %arg4[%get3A_654, %get3A_655] {strides = array<i32>} : memref<40x1024xf32, #tpu.memory_space<vmem>>, vector<1x16xf32>,
        %get3A_657 = vector.shape_cast %get3A_656 : vector<1x16xf32> to vector<16xf32>
        %mul3A_658 = arith.constant 6.400000e+01 : f32
        %mul3A_659 = vector.broadcast %mul3A_658 : f32 to vector<16xf32>
        %mul3A_660 = arith.mulf %get3A_657, %mul3A_659 : vector<16xf32>
        %swap3A_661 = arith.index_cast %scan3A_43 : i32 to index
        %swap3A_662 = arith.constant 816 : index
        %swap3A_663 = tpu.vector_load %arg4[%swap3A_661, %swap3A_662] {strides = array<i32>} : memref<40x1024xf32, #tpu.memory_space<vmem>>, vector<1x16xf32>,
        %swap3A_664 = vector.shape_cast %swap3A_663 : vector<1x16xf32> to vector<16xf32>
        %swap3A_665 = vector.shape_cast %mul3A_660 : vector<16xf32> to vector<1x16xf32>
        tpu.vector_store %arg4[%swap3A_661, %swap3A_662], %swap3A_665 {strides = array<i32>} : memref<40x1024xf32, #tpu.memory_space<vmem>>, vector<1x16xf32>,
        %get3A_666 = arith.index_cast %scan3A_43 : i32 to index
        %get3A_667 = arith.constant 832 : index
        %get3A_668 = tpu.vector_load %arg4[%get3A_666, %get3A_667] {strides = array<i32>} : memref<40x1024xf32, #tpu.memory_space<vmem>>, vector<1x16xf32>,
        %get3A_669 = vector.shape_cast %get3A_668 : vector<1x16xf32> to vector<16xf32>
        %mul3A_670 = arith.constant 6.400000e+01 : f32
        %mul3A_671 = vector.broadcast %mul3A_670 : f32 to vector<16xf32>
        %mul3A_672 = arith.mulf %get3A_669, %mul3A_671 : vector<16xf32>
        %swap3A_673 = arith.index_cast %scan3A_43 : i32 to index
        %swap3A_674 = arith.constant 832 : index
        %swap3A_675 = tpu.vector_load %arg4[%swap3A_673, %swap3A_674] {strides = array<i32>} : memref<40x1024xf32, #tpu.memory_space<vmem>>, vector<1x16xf32>,
        %swap3A_676 = vector.shape_cast %swap3A_675 : vector<1x16xf32> to vector<16xf32>
        %swap3A_677 = vector.shape_cast %mul3A_672 : vector<16xf32> to vector<1x16xf32>
        tpu.vector_store %arg4[%swap3A_673, %swap3A_674], %swap3A_677 {strides = array<i32>} : memref<40x1024xf32, #tpu.memory_space<vmem>>, vector<1x16xf32>,
        %get3A_678 = arith.index_cast %scan3A_43 : i32 to index
        %get3A_679 = arith.constant 848 : index
        %get3A_680 = tpu.vector_load %arg4[%get3A_678, %get3A_679] {strides = array<i32>} : memref<40x1024xf32, #tpu.memory_space<vmem>>, vector<1x16xf32>,
        %get3A_681 = vector.shape_cast %get3A_680 : vector<1x16xf32> to vector<16xf32>
        %mul3A_682 = arith.constant 6.400000e+01 : f32
        %mul3A_683 = vector.broadcast %mul3A_682 : f32 to vector<16xf32>
        %mul3A_684 = arith.mulf %get3A_681, %mul3A_683 : vector<16xf32>
        %swap3A_685 = arith.index_cast %scan3A_43 : i32 to index
        %swap3A_686 = arith.constant 848 : index
        %swap3A_687 = tpu.vector_load %arg4[%swap3A_685, %swap3A_686] {strides = array<i32>} : memref<40x1024xf32, #tpu.memory_space<vmem>>, vector<1x16xf32>,
        %swap3A_688 = vector.shape_cast %swap3A_687 : vector<1x16xf32> to vector<16xf32>
        %swap3A_689 = vector.shape_cast %mul3A_684 : vector<16xf32> to vector<1x16xf32>
        tpu.vector_store %arg4[%swap3A_685, %swap3A_686], %swap3A_689 {strides = array<i32>} : memref<40x1024xf32, #tpu.memory_space<vmem>>, vector<1x16xf32>,
        %get3A_690 = arith.index_cast %scan3A_43 : i32 to index
        %get3A_691 = arith.constant 864 : index
        %get3A_692 = tpu.vector_load %arg4[%get3A_690, %get3A_691] {strides = array<i32>} : memref<40x1024xf32, #tpu.memory_space<vmem>>, vector<1x16xf32>,
        %get3A_693 = vector.shape_cast %get3A_692 : vector<1x16xf32> to vector<16xf32>
        %mul3A_694 = arith.constant 6.400000e+01 : f32
        %mul3A_695 = vector.broadcast %mul3A_694 : f32 to vector<16xf32>
        %mul3A_696 = arith.mulf %get3A_693, %mul3A_695 : vector<16xf32>
        %swap3A_697 = arith.index_cast %scan3A_43 : i32 to index
        %swap3A_698 = arith.constant 864 : index
        %swap3A_699 = tpu.vector_load %arg4[%swap3A_697, %swap3A_698] {strides = array<i32>} : memref<40x1024xf32, #tpu.memory_space<vmem>>, vector<1x16xf32>,
        %swap3A_700 = vector.shape_cast %swap3A_699 : vector<1x16xf32> to vector<16xf32>
        %swap3A_701 = vector.shape_cast %mul3A_696 : vector<16xf32> to vector<1x16xf32>
        tpu.vector_store %arg4[%swap3A_697, %swap3A_698], %swap3A_701 {strides = array<i32>} : memref<40x1024xf32, #tpu.memory_space<vmem>>, vector<1x16xf32>,
        %get3A_702 = arith.index_cast %scan3A_43 : i32 to index
        %get3A_703 = arith.constant 880 : index
        %get3A_704 = tpu.vector_load %arg4[%get3A_702, %get3A_703] {strides = array<i32>} : memref<40x1024xf32, #tpu.memory_space<vmem>>, vector<1x16xf32>,
        %get3A_705 = vector.shape_cast %get3A_704 : vector<1x16xf32> to vector<16xf32>
        %mul3A_706 = arith.constant 6.400000e+01 : f32
        %mul3A_707 = vector.broadcast %mul3A_706 : f32 to vector<16xf32>
        %mul3A_708 = arith.mulf %get3A_705, %mul3A_707 : vector<16xf32>
        %swap3A_709 = arith.index_cast %scan3A_43 : i32 to index
        %swap3A_710 = arith.constant 880 : index
        %swap3A_711 = tpu.vector_load %arg4[%swap3A_709, %swap3A_710] {strides = array<i32>} : memref<40x1024xf32, #tpu.memory_space<vmem>>, vector<1x16xf32>,
        %swap3A_712 = vector.shape_cast %swap3A_711 : vector<1x16xf32> to vector<16xf32>
        %swap3A_713 = vector.shape_cast %mul3A_708 : vector<16xf32> to vector<1x16xf32>
        tpu.vector_store %arg4[%swap3A_709, %swap3A_710], %swap3A_713 {strides = array<i32>} : memref<40x1024xf32, #tpu.memory_space<vmem>>, vector<1x16xf32>,
        %get3A_714 = arith.index_cast %scan3A_43 : i32 to index
        %get3A_715 = arith.constant 896 : index
        %get3A_716 = tpu.vector_load %arg4[%get3A_714, %get3A_715] {strides = array<i32>} : memref<40x1024xf32, #tpu.memory_space<vmem>>, vector<1x16xf32>,
        %get3A_717 = vector.shape_cast %get3A_716 : vector<1x16xf32> to vector<16xf32>
        %mul3A_718 = arith.constant 6.400000e+01 : f32
        %mul3A_719 = vector.broadcast %mul3A_718 : f32 to vector<16xf32>
        %mul3A_720 = arith.mulf %get3A_717, %mul3A_719 : vector<16xf32>
        %swap3A_721 = arith.index_cast %scan3A_43 : i32 to index
        %swap3A_722 = arith.constant 896 : index
        %swap3A_723 = tpu.vector_load %arg4[%swap3A_721, %swap3A_722] {strides = array<i32>} : memref<40x1024xf32, #tpu.memory_space<vmem>>, vector<1x16xf32>,
        %swap3A_724 = vector.shape_cast %swap3A_723 : vector<1x16xf32> to vector<16xf32>
        %swap3A_725 = vector.shape_cast %mul3A_720 : vector<16xf32> to vector<1x16xf32>
        tpu.vector_store %arg4[%swap3A_721, %swap3A_722], %swap3A_725 {strides = array<i32>} : memref<40x1024xf32, #tpu.memory_space<vmem>>, vector<1x16xf32>,
        %get3A_726 = arith.index_cast %scan3A_43 : i32 to index
        %get3A_727 = arith.constant 912 : index
        %get3A_728 = tpu.vector_load %arg4[%get3A_726, %get3A_727] {strides = array<i32>} : memref<40x1024xf32, #tpu.memory_space<vmem>>, vector<1x16xf32>,
        %get3A_729 = vector.shape_cast %get3A_728 : vector<1x16xf32> to vector<16xf32>
        %mul3A_730 = arith.constant 6.400000e+01 : f32
        %mul3A_731 = vector.broadcast %mul3A_730 : f32 to vector<16xf32>
        %mul3A_732 = arith.mulf %get3A_729, %mul3A_731 : vector<16xf32>
        %swap3A_733 = arith.index_cast %scan3A_43 : i32 to index
        %swap3A_734 = arith.constant 912 : index
        %swap3A_735 = tpu.vector_load %arg4[%swap3A_733, %swap3A_734] {strides = array<i32>} : memref<40x1024xf32, #tpu.memory_space<vmem>>, vector<1x16xf32>,
        %swap3A_736 = vector.shape_cast %swap3A_735 : vector<1x16xf32> to vector<16xf32>
        %swap3A_737 = vector.shape_cast %mul3A_732 : vector<16xf32> to vector<1x16xf32>
        tpu.vector_store %arg4[%swap3A_733, %swap3A_734], %swap3A_737 {strides = array<i32>} : memref<40x1024xf32, #tpu.memory_space<vmem>>, vector<1x16xf32>,
        %get3A_738 = arith.index_cast %scan3A_43 : i32 to index
        %get3A_739 = arith.constant 928 : index
        %get3A_740 = tpu.vector_load %arg4[%get3A_738, %get3A_739] {strides = array<i32>} : memref<40x1024xf32, #tpu.memory_space<vmem>>, vector<1x16xf32>,
        %get3A_741 = vector.shape_cast %get3A_740 : vector<1x16xf32> to vector<16xf32>
        %mul3A_742 = arith.constant 6.400000e+01 : f32
        %mul3A_743 = vector.broadcast %mul3A_742 : f32 to vector<16xf32>
        %mul3A_744 = arith.mulf %get3A_741, %mul3A_743 : vector<16xf32>
        %swap3A_745 = arith.index_cast %scan3A_43 : i32 to index
        %swap3A_746 = arith.constant 928 : index
        %swap3A_747 = tpu.vector_load %arg4[%swap3A_745, %swap3A_746] {strides = array<i32>} : memref<40x1024xf32, #tpu.memory_space<vmem>>, vector<1x16xf32>,
        %swap3A_748 = vector.shape_cast %swap3A_747 : vector<1x16xf32> to vector<16xf32>
        %swap3A_749 = vector.shape_cast %mul3A_744 : vector<16xf32> to vector<1x16xf32>
        tpu.vector_store %arg4[%swap3A_745, %swap3A_746], %swap3A_749 {strides = array<i32>} : memref<40x1024xf32, #tpu.memory_space<vmem>>, vector<1x16xf32>,
        %get3A_750 = arith.index_cast %scan3A_43 : i32 to index
        %get3A_751 = arith.constant 944 : index
        %get3A_752 = tpu.vector_load %arg4[%get3A_750, %get3A_751] {strides = array<i32>} : memref<40x1024xf32, #tpu.memory_space<vmem>>, vector<1x16xf32>,
        %get3A_753 = vector.shape_cast %get3A_752 : vector<1x16xf32> to vector<16xf32>
        %mul3A_754 = arith.constant 6.400000e+01 : f32
        %mul3A_755 = vector.broadcast %mul3A_754 : f32 to vector<16xf32>
        %mul3A_756 = arith.mulf %get3A_753, %mul3A_755 : vector<16xf32>
        %swap3A_757 = arith.index_cast %scan3A_43 : i32 to index
        %swap3A_758 = arith.constant 944 : index
        %swap3A_759 = tpu.vector_load %arg4[%swap3A_757, %swap3A_758] {strides = array<i32>} : memref<40x1024xf32, #tpu.memory_space<vmem>>, vector<1x16xf32>,
        %swap3A_760 = vector.shape_cast %swap3A_759 : vector<1x16xf32> to vector<16xf32>
        %swap3A_761 = vector.shape_cast %mul3A_756 : vector<16xf32> to vector<1x16xf32>
        tpu.vector_store %arg4[%swap3A_757, %swap3A_758], %swap3A_761 {strides = array<i32>} : memref<40x1024xf32, #tpu.memory_space<vmem>>, vector<1x16xf32>,
        %get3A_762 = arith.index_cast %scan3A_43 : i32 to index
        %get3A_763 = arith.constant 960 : index
        %get3A_764 = tpu.vector_load %arg4[%get3A_762, %get3A_763] {strides = array<i32>} : memref<40x1024xf32, #tpu.memory_space<vmem>>, vector<1x16xf32>,
        %get3A_765 = vector.shape_cast %get3A_764 : vector<1x16xf32> to vector<16xf32>
        %mul3A_766 = arith.constant 6.400000e+01 : f32
        %mul3A_767 = vector.broadcast %mul3A_766 : f32 to vector<16xf32>
        %mul3A_768 = arith.mulf %get3A_765, %mul3A_767 : vector<16xf32>
        %swap3A_769 = arith.index_cast %scan3A_43 : i32 to index
        %swap3A_770 = arith.constant 960 : index
        %swap3A_771 = tpu.vector_load %arg4[%swap3A_769, %swap3A_770] {strides = array<i32>} : memref<40x1024xf32, #tpu.memory_space<vmem>>, vector<1x16xf32>,
        %swap3A_772 = vector.shape_cast %swap3A_771 : vector<1x16xf32> to vector<16xf32>
        %swap3A_773 = vector.shape_cast %mul3A_768 : vector<16xf32> to vector<1x16xf32>
        tpu.vector_store %arg4[%swap3A_769, %swap3A_770], %swap3A_773 {strides = array<i32>} : memref<40x1024xf32, #tpu.memory_space<vmem>>, vector<1x16xf32>,
        %get3A_774 = arith.index_cast %scan3A_43 : i32 to index
        %get3A_775 = arith.constant 976 : index
        %get3A_776 = tpu.vector_load %arg4[%get3A_774, %get3A_775] {strides = array<i32>} : memref<40x1024xf32, #tpu.memory_space<vmem>>, vector<1x16xf32>,
        %get3A_777 = vector.shape_cast %get3A_776 : vector<1x16xf32> to vector<16xf32>
        %mul3A_778 = arith.constant 6.400000e+01 : f32
        %mul3A_779 = vector.broadcast %mul3A_778 : f32 to vector<16xf32>
        %mul3A_780 = arith.mulf %get3A_777, %mul3A_779 : vector<16xf32>
        %swap3A_781 = arith.index_cast %scan3A_43 : i32 to index
        %swap3A_782 = arith.constant 976 : index
        %swap3A_783 = tpu.vector_load %arg4[%swap3A_781, %swap3A_782] {strides = array<i32>} : memref<40x1024xf32, #tpu.memory_space<vmem>>, vector<1x16xf32>,
        %swap3A_784 = vector.shape_cast %swap3A_783 : vector<1x16xf32> to vector<16xf32>
        %swap3A_785 = vector.shape_cast %mul3A_780 : vector<16xf32> to vector<1x16xf32>
        tpu.vector_store %arg4[%swap3A_781, %swap3A_782], %swap3A_785 {strides = array<i32>} : memref<40x1024xf32, #tpu.memory_space<vmem>>, vector<1x16xf32>,
        %get3A_786 = arith.index_cast %scan3A_43 : i32 to index
        %get3A_787 = arith.constant 992 : index
        %get3A_788 = tpu.vector_load %arg4[%get3A_786, %get3A_787] {strides = array<i32>} : memref<40x1024xf32, #tpu.memory_space<vmem>>, vector<1x16xf32>,
        %get3A_789 = vector.shape_cast %get3A_788 : vector<1x16xf32> to vector<16xf32>
        %mul3A_790 = arith.constant 6.400000e+01 : f32
        %mul3A_791 = vector.broadcast %mul3A_790 : f32 to vector<16xf32>
        %mul3A_792 = arith.mulf %get3A_789, %mul3A_791 : vector<16xf32>
        %swap3A_793 = arith.index_cast %scan3A_43 : i32 to index
        %swap3A_794 = arith.constant 992 : index
        %swap3A_795 = tpu.vector_load %arg4[%swap3A_793, %swap3A_794] {strides = array<i32>} : memref<40x1024xf32, #tpu.memory_space<vmem>>, vector<1x16xf32>,
        %swap3A_796 = vector.shape_cast %swap3A_795 : vector<1x16xf32> to vector<16xf32>
        %swap3A_797 = vector.shape_cast %mul3A_792 : vector<16xf32> to vector<1x16xf32>
        tpu.vector_store %arg4[%swap3A_793, %swap3A_794], %swap3A_797 {strides = array<i32>} : memref<40x1024xf32, #tpu.memory_space<vmem>>, vector<1x16xf32>,
        %get3A_798 = arith.index_cast %scan3A_43 : i32 to index
        %get3A_799 = arith.constant 1008 : index
        %get3A_800 = tpu.vector_load %arg4[%get3A_798, %get3A_799] {strides = array<i32>} : memref<40x1024xf32, #tpu.memory_space<vmem>>, vector<1x16xf32>,
        %get3A_801 = vector.shape_cast %get3A_800 : vector<1x16xf32> to vector<16xf32>
        %mul3A_802 = arith.constant 6.400000e+01 : f32
        %mul3A_803 = vector.broadcast %mul3A_802 : f32 to vector<16xf32>
        %mul3A_804 = arith.mulf %get3A_801, %mul3A_803 : vector<16xf32>
        %swap3A_805 = arith.index_cast %scan3A_43 : i32 to index
        %swap3A_806 = arith.constant 1008 : index
        %swap3A_807 = tpu.vector_load %arg4[%swap3A_805, %swap3A_806] {strides = array<i32>} : memref<40x1024xf32, #tpu.memory_space<vmem>>, vector<1x16xf32>,
        %swap3A_808 = vector.shape_cast %swap3A_807 : vector<1x16xf32> to vector<16xf32>
        %swap3A_809 = vector.shape_cast %mul3A_804 : vector<16xf32> to vector<1x16xf32>
        tpu.vector_store %arg4[%swap3A_805, %swap3A_806], %swap3A_809 {strides = array<i32>} : memref<40x1024xf32, #tpu.memory_space<vmem>>, vector<1x16xf32>,
      }
      %scan3A_42 = arith.constant 40 : i32
      "tpu.region"() ({
        %run_scoped3A = tpu.sem_alloc : memref<!tpu.dma_semaphore, #tpu.memory_space<semaphore_mem>>
        %dma_start3A = arith.constant 0 : i32
        %dma_start3A_43 = tpu.memref_slice %arg3[%mul3A_37, %dma_start3A] : memref<100000x1024xf32, #tpu.memory_space<hbm>> -> memref<40x1024xf32, #tpu.memory_space<hbm>>
        %dma_start3A_44 = arith.constant 0 : i32
        %dma_start3A_45 = tpu.memref_slice %arg3[%mul3A_37, %dma_start3A_44] : memref<100000x1024xf32, #tpu.memory_space<hbm>> -> memref<40x1024xf32, #tpu.memory_space<hbm>>
        tpu.enqueue_dma source(%arg4 : memref<40x1024xf32, #tpu.memory_space<vmem>>) target(%dma_start3A_45 : memref<40x1024xf32, #tpu.memory_space<hbm>>) target_semaphore(%run_scoped3A : memref<!tpu.dma_semaphore, #tpu.memory_space<semaphore_mem>>)
        %dma_wait3A = arith.constant 0 : i32
        %dma_wait3A_46 = tpu.memref_slice %arg3[%mul3A_37, %dma_wait3A] : memref<100000x1024xf32, #tpu.memory_space<hbm>> -> memref<40x1024xf32, #tpu.memory_space<hbm>>
        %dma_wait3A_47 = arith.constant 0 : i32
        %dma_wait3A_48 = tpu.memref_slice %arg3[%mul3A_37, %dma_wait3A_47] : memref<100000x1024xf32, #tpu.memory_space<hbm>> -> memref<40x1024xf32, #tpu.memory_space<hbm>>
        tpu.wait_dma2 semaphore(%run_scoped3A : memref<!tpu.dma_semaphore, #tpu.memory_space<semaphore_mem>>) src(%arg4 : memref<40x1024xf32, #tpu.memory_space<vmem>>) dst(%dma_wait3A_48 : memref<40x1024xf32, #tpu.memory_space<hbm>>)
        tpu.yield
      }) : () -> ()
    }
    return
  }
}

</mosaic_0001>

<sc_bundles>
// kernel: kernel.3.cloned.1.call-start
scs
__scs_entry_jumppad:
0x0: {  	(pc) =	sbr.rel $0x88, $3  }
0x1: {  	(tag) =	ssettag $0x0;
	lr =	simm.s32 $0x1  }
0x2: {  	[smem:$0x3FA0] =	sst lr;
	_ =	strace $0xD0000000  }
0x3: {  	_ = 	snop  }
0x4: {  	_ = 	snop  }
0x5: {  	_ = 	snop  }
0x6: {  	_ = 	snop  }
0x7: {  	_ = 	snop  }
__scs_overlays_trampoline_lowered:
0x8: {  	[smem:$0x3FAF] =	sst s0  }
0x9: {  	[smem:$0x3FB0] =	sst s1  }
0xa: {  	[smem:$0x3FB1] =	sst s2  }
0xb: {  	[smem:$0x3FB2] =	sst s3  }
0xc: {  	[smem:$0x3FB3] =	sst s4  }
0xd: {  	[smem:$0x3FB4] =	sst s5  }
0xe: {  	[smem:$0x3FB5] =	sst s6  }
0xf: {  	[smem:$0x3FB6] =	sst s7  }
0x10: {  	[smem:$0x3FB7] =	sst s8  }
0x11: {  	[smem:$0x3FB8] =	sst s9;
	s0 =	simm.s32 @!p0 $0x0  }
0x12: {  	s1 =	sld [smem:$0x3F9E];
	s0 =	simm.s32 @p0 $0x1  }
0x13: {  	[smem:$0x3FB9] =	sst s0;
	s0 =	simm.s32 @!p1 $0x0  }
0x14: {  	s2 =	sld [smem:$0x3F9D];
	s0 =	simm.s32 @p1 $0x1  }
0x15: {  	[smem:$0x3FBA] =	sst s0;
	s0 =	simm.s32 @!p2 $0x0  }
0x16: {  	s3 =	sld [smem:$0x3FDB];
	s0 =	simm.s32 @p2 $0x1  }
0x17: {  	s4 =	simm.s32 $0x1BF5;
	[smem:$0x3FBC] =	sst s0  }
0x18: {  	s0 =	sld [smem:$0x3F9F];
	_ =	swait.ge [sflag:s4], $0x0  }
0x19: {  	s7 =	sld [smem:$0x3FA0]  }
0x1a: {  	s8 =	sadd.s32 $0xFFFFE003, lr  }
0x1b: {  	s9 =	sadd.s32 $0xFFFFFEF7, lr;
	s5 =	simm.s32 $0xFFFFFFFF;
	p2 =	slt.u32 s8, $0xFFFFF086  }
0x1c: {  	p1 =	slt.u32 s9, $0xF7A;
	s5 =	simm.s32 @!p2 $0x0  }
0x1d: {  	s5 =	simm.s32 @p1 $0x1;
	p0 =	seq.s32 s7, s2  }
0x1e: {  	s7 =	smul.u32 @!p0 $0xF7A, s2;
	p2 =	seq.s32 @!p0 s5, $0x0  }
0x1f: {  	s9 =	smul.u32 $0xF7A, s1;
	s8 =	simm.s32 @!p0 $0x1BF5;
	p2 =	por !p2, p0  }
0x20: {  	[sflag:s8] =	ssyncset.s32 @!p0 $0xFFFFF086;
	s6 =	sadd.s32 @!p0 s3, s7;
	s7 =	simm.s32 @!p0 $0x108  }
0x21: {  	s3 =	sadd.s32 s3, s9;
	s6 =	sadd.s32 @!p0 $0x88, s6;
	s7 =	simm.s32 @p2 $0x1082  }
0x22: {  	[simem:s7], [sflag:s8] =	dma.local @!p0 [hbm:s6], $0xF7A  }
0x23: {  	s9 =	sor.u32 $0xD0000000, s2;
	s6 =	simm.s32 $0x108;
	_ =	swait.ge @!p0 [sflag:s8], $0x0  }
0x24: {  	s3 =	sadd.s32 $0x88, s3;
	s6 =	simm.s32 @!p1 $0x1082;
	[sflag:s4] =	ssyncset.s32 $0xFFFFF086  }
0x25: {  	[simem:s6], [sflag:s4] =	dma.local [hbm:s3], $0xF7A  }
0x26: {  	[smem:$0x3FA0] =	sst s1;
	(tag) =	ssettag s2;
	_ =	strace s9  }
0x27: {  	s1 =	sld [smem:$0x3FB0]  }
0x28: {  	s2 =	sld [smem:$0x3FB1]  }
0x29: {  	s4 =	sld [smem:$0x3FB3]  }
0x2a: {  	p0 =	seq.s32 s5, $0x0;
	s5 =	sld [smem:$0x3FB4]  }
0x2b: {  	s6 =	sld [smem:$0x3FB5]  }
0x2c: {  	s7 =	sld [smem:$0x3FB6]  }
0x2d: {  	s3 =	simm.s32 $0x108;
	s8 =	sld [smem:$0x3FB7]  }
0x2e: {  	s3 =	simm.s32 @!p0 $0x1082;
	s9 =	sld [smem:$0x3FB8]  }
0x2f: {  	lr =	sadd.s32 s0, s3;
	s0 =	sld [smem:$0x3FAF]  }
0x30: {  	s3 =	sld [smem:$0x3FB2]  }
0x31: {  	[smem:$0x3FBB] =	sst s10  }
0x32: {  	s10 =	sld [smem:$0x3FB9];
	_ =	sdelay $0x3  }
0x33: {  	p0 =	seq.s32 s10, $0x1;
	s10 =	sld [smem:$0x3FBB];
	_ =	sdelay $0x3  }
0x34: {  	[smem:$0x3FBB] =	sst s10  }
0x35: {  	s10 =	sld [smem:$0x3FBA];
	_ =	sdelay $0x3  }
0x36: {  	p1 =	seq.s32 s10, $0x1;
	s10 =	sld [smem:$0x3FBB];
	_ =	sdelay $0x3  }
0x37: {  	[smem:$0x3FBB] =	sst s10  }
0x38: {  	s10 =	sld [smem:$0x3FBC]  }
0x39: {  	_ = 	snop;
	(pc) =	sbr.ind lr, $3  }
0x3a: {  	_ = 	snop  }
0x3b: {  	_ = 	snop  }
0x3c: {  	p2 =	seq.s32 s10, $0x1;
	s10 =	sld [smem:$0x3FBB]  }
0x3d: {  	_ =	shalt  }
0x3e: {  	_ =	shalt  }
0x3f: {  	_ =	shalt  }
0x40: {  	_ =	shalt  }
0x41: {  	_ =	shalt  }
0x42: {  	_ =	shalt  }
0x43: {  	_ =	shalt  }
0x44: {  	_ =	shalt  }
0x45: {  	_ =	shalt  }
0x46: {  	_ =	shalt  }
0x47: {  	_ =	shalt  }
0x48: {  	_ =	shalt  }
0x49: {  	_ =	shalt  }
0x4a: {  	_ =	shalt  }
0x4b: {  	_ =	shalt  }
0x4c: {  	_ =	shalt  }
0x4d: {  	_ =	shalt  }
0x4e: {  	_ =	shalt  }
0x4f: {  	_ =	shalt  }
0x50: {  	_ =	shalt  }
0x51: {  	_ =	shalt  }
0x52: {  	_ =	shalt  }
0x53: {  	_ =	shalt  }
0x54: {  	_ =	shalt  }
0x55: {  	_ =	shalt  }
0x56: {  	_ =	shalt  }
0x57: {  	_ =	shalt  }
0x58: {  	_ =	shalt  }
0x59: {  	_ =	shalt  }
0x5a: {  	_ =	shalt  }
0x5b: {  	_ =	shalt  }
0x5c: {  	_ =	shalt  }
0x5d: {  	_ =	shalt  }
0x5e: {  	_ =	shalt  }
0x5f: {  	_ =	shalt  }
0x60: {  	_ =	shalt  }
0x61: {  	_ =	shalt  }
0x62: {  	_ =	shalt  }
0x63: {  	_ =	shalt  }
0x64: {  	_ =	shalt  }
0x65: {  	_ =	shalt  }
0x66: {  	_ =	shalt  }
0x67: {  	_ =	shalt  }
0x68: {  	_ =	shalt  }
0x69: {  	_ =	shalt  }
0x6a: {  	_ =	shalt  }
0x6b: {  	_ =	shalt  }
0x6c: {  	_ =	shalt  }
0x6d: {  	_ =	shalt  }
0x6e: {  	_ =	shalt  }
0x6f: {  	_ =	shalt  }
0x70: {  	_ =	shalt  }
0x71: {  	_ =	shalt  }
0x72: {  	_ =	shalt  }
0x73: {  	_ =	shalt  }
0x74: {  	_ =	shalt  }
0x75: {  	_ =	shalt  }
0x76: {  	_ =	shalt  }
0x77: {  	_ =	shalt  }
0x78: {  	_ =	shalt  }
0x79: {  	_ =	shalt  }
0x7a: {  	_ =	shalt  }
0x7b: {  	_ =	shalt  }
0x7c: {  	_ =	shalt  }
0x7d: {  	_ =	shalt  }
0x7e: {  	_ =	shalt  }
0x7f: {  	_ =	shalt  }
0x80: {  	_ =	shalt  }
0x81: {  	_ =	shalt  }
0x82: {  	_ =	shalt  }
0x83: {  	_ =	shalt  }
0x84: {  	_ =	shalt  }
0x85: {  	_ =	shalt  }
0x86: {  	_ =	shalt  }
0x87: {  	_ =	shalt  }
.Lfunc_end0:
.L_simem_size_0:
called_computation_lowered:
.L_overlay_start_0:
0x88: {  	s2 =	sld [smem:$0x3FD9]  }
0x89: {  	s3 =	sld [smem:$0x3FFE];
	_ =	sdelay $0x1  }
0x8a: {  	s1 =	srdreg.scid  }
0x8b: {  	s0 =	sand.u32 $0x1, s1  }
0x8c: {  	s18 =	sshll.u32 s0, $0xA;
	s2 =	sadd.s32 s3, s2  }
0x8d: {  	s2 =	sadd.s32 s2, s18  }
0x8e: {  	[smem:$0x3FC7] =	sst s2  }
0x8f: {  	_ = 	snop  }
0x90: {  	s2 =	sld [smem:$0x3FC9]  }
0x91: {  	s19 =	sld [smem:$0x3FD0];
	(tm) =	ssettm $0x1  }
0x92: {  	s4 =	sld [smem:$0x3FFB];
	_ =	sdelay $0x3  }
0x93: {  	_ =	strace s4  }
0x94: {  	s4 =	sld [smem:$0x3FFC];
	_ =	sdelay $0x3  }
0x95: {  	_ =	strace s4  }
0x96: {  	s4 =	sld [smem:$0x3FFD];
	_ =	sdelay $0x3  }
0x97: {  	_ =	strace s4  }
0x98: {  	_ =	strace $0x8FFFFFFF  }
0x99: {  	s20 =	sld [smem:$0x3FDB];
	_ =	sdelay $0x1  }
0x9a: {  	s5 =	simm.s32 $_scs_section_size  }
0x9b: {  	s6 =	simm.s32 $_size__tile_overlayer_lowered;
	s7 =	simm.s32 $_tile_overlayer_lowered  }
0x9c: {  	s23 =	simm.s32 $0x1BFF;
	s22 =	sshll.u32 s7, $0x1;
	s4 =	sadd.s32 s5, s20  }
0x9d: {  	s8 =	simm.s32 $0x0;
	s21 =	sshll.u32 s6, $0x1;
	s6 =	sadd.s32 s22, s4  }
0x9e: {  	[timem:s8], [sflag:s23] =	dma.local [hbm:s6], s21  }
0x9f: {  	_ =	swait.ge [sflag:s23], s21  }
0xa0: {  	s5 =	ssub.s32 $0x0, s21;
	[sflag:s23] =	ssyncset.done $0x0  }
0xa1: {  	[sflag:s23] =	ssyncadd.s32 s5;
	_ =	sdelay $0x1  }
0xa2: {  	s24 =	simm.s32 $0x1B8B  }
0xa3: {  	_ =	swait.ge [sflag:s24], $0x1  }
0xa4: {  	[sflag:s24] =	ssyncset.done $0x0  }
0xa5: {  	s25 =	simm.s32 $0x1B8E;
	[sflag:s24] =	ssyncadd.s32 $0xFFFFFFFF  }
0xa6: {  	s26 =	simm.s32 $execute0_lowered;
	[smem:$0x3FD2] =	sst s25  }
0xa7: {  	s5 =	sshll.u32 s26, $0x1;
	_ =	strace $0x80000046;
	[dreg:$0x1] =	wrdreg $0xFFFFFFFF  }
0xa8: {  	s28 =	simm.s32 $_size_execute0_lowered;
	s4 =	sadd.s32 s4, s5;
	[dreg:$0x0] =	wrdreg $0x0  }
0xa9: {  	s5 =	sshll.u32 s28, $0x1;
	[dreg:$0x2] =	wrdreg s4  }
0xaa: {  	[dreg:$0x3] =	wrdreg s5  }
0xab: {  	[dreg:$0x4] =	wrdreg $0xC0  }
0xac: {  	_ =	task [dreg:s8], $0x5FFFF  }
0xad: {  	[dreg:$0x1] =	wrdreg $0xFFFFFFFF  }
0xae: {  	[dreg:$0x0] =	wrdreg $0x60  }
0xaf: {  	[dreg:$0x2] =	wrdreg s2  }
0xb0: {  	[dreg:$0x3] =	wrdreg s19  }
0xb1: {  	[dreg:$0x4] =	wrdreg $0x9  }
0xb2: {  	_ =	task.clear_ibuf [dreg:s8], $0x5FFFF;
	_ =	strace $0x90000046  }
0xb3: {  	s29 =	simm.s32 $0x9;
	_ =	strace $0x80000048  }
0xb4: {  	_ =	swait.ge [sflag:s29], $0x1  }
0xb5: {  	[sflag:s29] =	ssyncadd.s32 $0xFFFFFFFF  }
0xb6: {  	_ =	strace $0x90000048  }
0xb7: {  	_ =	sfence  }
0xb8: {  	s30 =	sld [smem:$0x0];
	_ =	sdelay $0x2  }
0xb9: {  	s31 =	sshll.u32 s1, $0xD;
	s1 =	sshrl.u32 s1, $0x2  }
0xba: {  	s3 =	sand.u32 $0x4000, s31;
	s1 =	sadd.s32 s1, s30  }
0xbb: {  	s0 =	sor.u32 s3, s0;
	s1 =	sshll.u32 s1, $0x11  }
0xbc: {  	s0 =	sor.u32 s1, s0  }
0xbd: {  	s0 =	sadd.s32 $0x8F2B, s0  }
0xbe: {  	[sflag:s0] =	ssyncadd.remote.s32 $0x1  }
0xbf: {  	_ =	sfence.sel $0xFFFF  }
0xc0: {  	[dreg:$0x0] =	wrdreg $0xFFFFFFFF;
	(pc) =	sbr.abs _section_cstart, $3  }
0xc1: {  	[dreg:$0x1] =	wrdreg $0xFFFFFFFF  }
0xc2: {  	_ =	task.clear_ibuf [dreg:s8], $0x2FFFF;
	_ =	strace $0x9FFFFFFF  }
0xc3: {  	(tm) =	ssettm $0x7FFFFFFF  }
tec
execute0_lowered:
.L_overlay_start_1:
0x0: {  	(tag) =	ssettag $0x1  }
0x1: {  	s2 =	rddreg [dreg:$0x0]  }
0x2: {  	s3 =	rddreg [dreg:$0x1]  }
0x3: {  	s4 =	srdreg.scid;
	s1 =	stileid.u32  }
0x4: {  	s0 =	rddreg [dreg:$0x2];
	s9 =	simm.s32 $0x0;
	s5 =	sand.u32 $0x1, s4  }
0x5: {  	s6 =	sshll.u32 s1, $0x1;
	s4 =	simm.s32 $0x0;
	s7 =	ssub.s32 $0x2, s5  }
0x6: {  	s5 =	sor.u32 s6, s5;
	[smem:$0x7FF] =	sst s4;
	s31 =	sshrl.u32 s7, $0x1  }
0x7: {  	s8 =	ssub.s32 $0x9E3, s5;
	_ =	strace $0x80000047;
	s7 =	ssub.s32 s7, s31  }
0x8: {  	s6 =	sshrl.u32 s8, $0x5;
	s8 =	simm.s32 $0x1;
	s7 =	smax.u32 s7, $0x1  }
.LBB2_1:
0x9: {  	s10 =	simm.s32 $0x0  }
.LBB2_2:
0xa: {  	s11 =	sshll.u32 s10, $0x5  }
0xb: {  	s11 =	sor.u32 s5, s11  }
0xc: {  	s11 =	smul.u32 $0xA000, s11;
	_ =	sdelay $0x1  }
0xd: {  	s11 =	sshrl.u32 s11, $0x3  }
0xe: {  	s12 =	simm.s32 $0x0;
	s13 =	sadd.s32 s2, s11  }
0xf: {  	[tilespmem:s12], [sflag:$0x1] =	stream.linear.gather [hbm4b:s13+s12], $0xA000, $0x38;
	[tilespmem:$0xA000] =	vst v63  }
0x10: {  	_ =	swait.ge [sflag:s8], $0xA000  }
0x11: {  	s14 =	simm.s32 $0x0;
	[sflag:s8] =	ssyncset.done $0x0  }
0x12: {  	s15 =	simm.s32 $0x0;
	s13 =	simm.s32 $0xFFFF6000;
	[sflag:s8] =	ssyncadd.s32 $0xFFFF6000  }
.LBB2_3:
0x13: {  	s16 =	sadd.s32 $0xA000, s13  }
0x14: {  	s17 =	sand.u32 $0x380, s15;
	s16 =	sand.u32 $0xE000, s16  }
0x15: {  	s16 =	sor.u32 s17, s16  }
0x16: {  	v0 =	vld [tilespmem:s16+$0x0]  }
0x17: {  	v1 =	vld [tilespmem:s16+$0x10]  }
0x18: {  	v2 =	vld [tilespmem:s16+$0x20]  }
0x19: {  	v3 =	vld [tilespmem:s16+$0x30]  }
0x1a: {  	v4 =	vld [tilespmem:s16+$0x50]  }
0x1b: {  	v5 =	vld [tilespmem:s16+$0x60];
	v0 =	vmul.f32 $6.400000000e+01, v0  }
0x1c: {  	v6 =	vld [tilespmem:s16+$0x70];
	v1 =	vmul.f32 $6.400000000e+01, v1  }
0x1d: {  	v23 =	vld [tilespmem:s16+$0x400];
	v22 =	vmul.f32 $6.400000000e+01, v2;
	[tilespmem:s16+$0x0] =	vst v0  }
0x1e: {  	v25 =	vld [tilespmem:s16+$0x410];
	v24 =	vmul.f32 $6.400000000e+01, v3;
	[tilespmem:s16+$0x10] =	vst v1  }
0x1f: {  	v27 =	vld [tilespmem:s16+$0x420];
	v26 =	vmul.f32 $6.400000000e+01, v4;
	[tilespmem:s16+$0x20] =	vst v22  }
0x20: {  	v29 =	vld [tilespmem:s16+$0x430];
	v28 =	vmul.f32 $6.400000000e+01, v5;
	[tilespmem:s16+$0x30] =	vst v24  }
0x21: {  	v31 =	vld [tilespmem:s16+$0x450];
	v30 =	vmul.f32 $6.400000000e+01, v6;
	[tilespmem:s16+$0x50] =	vst v26  }
0x22: {  	v33 =	vld [tilespmem:s16+$0x460];
	v32 =	vmul.f32 $6.400000000e+01, v23;
	[tilespmem:s16+$0x60] =	vst v28  }
0x23: {  	v35 =	vld [tilespmem:s16+$0x470];
	v34 =	vmul.f32 $6.400000000e+01, v25;
	[tilespmem:s16+$0x70] =	vst v30  }
0x24: {  	v37 =	vld [tilespmem:s16+$0x800];
	v36 =	vmul.f32 $6.400000000e+01, v27;
	[tilespmem:s16+$0x400] =	vst v32  }
0x25: {  	v39 =	vld [tilespmem:s16+$0x810];
	v38 =	vmul.f32 $6.400000000e+01, v29;
	[tilespmem:s16+$0x410] =	vst v34  }
0x26: {  	v41 =	vld [tilespmem:s16+$0x820];
	v40 =	vmul.f32 $6.400000000e+01, v31;
	[tilespmem:s16+$0x420] =	vst v36  }
0x27: {  	v43 =	vld [tilespmem:s16+$0x830];
	v42 =	vmul.f32 $6.400000000e+01, v33;
	[tilespmem:s16+$0x430] =	vst v38  }
0x28: {  	v45 =	vld [tilespmem:s16+$0x850];
	v44 =	vmul.f32 $6.400000000e+01, v35;
	[tilespmem:s16+$0x450] =	vst v40  }
0x29: {  	v47 =	vld [tilespmem:s16+$0x860];
	v46 =	vmul.f32 $6.400000000e+01, v37;
	[tilespmem:s16+$0x460] =	vst v42  }
0x2a: {  	v49 =	vld [tilespmem:s16+$0x870];
	v48 =	vmul.f32 $6.400000000e+01, v39;
	[tilespmem:s16+$0x470] =	vst v44  }
0x2b: {  	v51 =	vld [tilespmem:s16+$0xC00];
	v50 =	vmul.f32 $6.400000000e+01, v41;
	[tilespmem:s16+$0x800] =	vst v46  }
0x2c: {  	v53 =	vld [tilespmem:s16+$0xC10];
	v52 =	vmul.f32 $6.400000000e+01, v43;
	[tilespmem:s16+$0x810] =	vst v48  }
0x2d: {  	v55 =	vld [tilespmem:s16+$0xC20];
	v54 =	vmul.f32 $6.400000000e+01, v45;
	[tilespmem:s16+$0x820] =	vst v50  }
0x2e: {  	v57 =	vld [tilespmem:s16+$0xC30];
	v56 =	vmul.f32 $6.400000000e+01, v47;
	[tilespmem:s16+$0x830] =	vst v52  }
0x2f: {  	v59 =	vld [tilespmem:s16+$0xC50];
	v58 =	vmul.f32 $6.400000000e+01, v49;
	[tilespmem:s16+$0x850] =	vst v54  }
0x30: {  	v61 =	vld [tilespmem:s16+$0xC60];
	v60 =	vmul.f32 $6.400000000e+01, v51;
	[tilespmem:s16+$0x860] =	vst v56  }
0x31: {  	v63 =	vld [tilespmem:s16+$0xC70];
	v62 =	vmul.f32 $6.400000000e+01, v53;
	[tilespmem:s16+$0x870] =	vst v58  }
0x32: {  	v9 =	vld [tilespmem:s16+$0x1000];
	v8 =	vmul.f32 $6.400000000e+01, v55;
	[tilespmem:s16+$0xC00] =	vst v60  }
0x33: {  	v11 =	vld [tilespmem:s16+$0x1010];
	v10 =	vmul.f32 $6.400000000e+01, v57;
	[tilespmem:s16+$0xC10] =	vst v62  }
0x34: {  	v13 =	vld [tilespmem:s16+$0x1020];
	v12 =	vmul.f32 $6.400000000e+01, v59;
	[tilespmem:s16+$0xC20] =	vst v8  }
0x35: {  	v15 =	vld [tilespmem:s16+$0x1030];
	v14 =	vmul.f32 $6.400000000e+01, v61;
	[tilespmem:s16+$0xC30] =	vst v10  }
0x36: {  	v17 =	vld [tilespmem:s16+$0x1050];
	v16 =	vmul.f32 $6.400000000e+01, v63;
	[tilespmem:s16+$0xC50] =	vst v12  }
0x37: {  	v19 =	vld [tilespmem:s16+$0x1060];
	v18 =	vmul.f32 $6.400000000e+01, v9;
	[tilespmem:s16+$0xC60] =	vst v14  }
0x38: {  	v21 =	vld [tilespmem:s16+$0x1070];
	v20 =	vmul.f32 $6.400000000e+01, v11;
	[tilespmem:s16+$0xC70] =	vst v16  }
0x39: {  	v23 =	vld [tilespmem:s16+$0x1400];
	[tilespmem:s16+$0x1000] =	vst v18;
	v22 =	vmul.f32 $6.400000000e+01, v13  }
0x3a: {  	v25 =	vld [tilespmem:s16+$0x1410];
	[tilespmem:s16+$0x1010] =	vst v20;
	v24 =	vmul.f32 $6.400000000e+01, v15  }
0x3b: {  	v27 =	vld [tilespmem:s16+$0x1420];
	v26 =	vmul.f32 $6.400000000e+01, v17;
	[tilespmem:s16+$0x1020] =	vst v22  }
0x3c: {  	v29 =	vld [tilespmem:s16+$0x1430];
	v28 =	vmul.f32 $6.400000000e+01, v19;
	[tilespmem:s16+$0x1030] =	vst v24  }
0x3d: {  	v31 =	vld [tilespmem:s16+$0x1450];
	v30 =	vmul.f32 $6.400000000e+01, v21;
	[tilespmem:s16+$0x1050] =	vst v26  }
0x3e: {  	v33 =	vld [tilespmem:s16+$0x1460];
	[tilespmem:s16+$0x1060] =	vst v28;
	v32 =	vmul.f32 $6.400000000e+01, v23  }
0x3f: {  	v35 =	vld [tilespmem:s16+$0x1470];
	[tilespmem:s16+$0x1070] =	vst v30;
	v34 =	vmul.f32 $6.400000000e+01, v25  }
0x40: {  	v37 =	vld [tilespmem:s16+$0x1800];
	v36 =	vmul.f32 $6.400000000e+01, v27;
	[tilespmem:s16+$0x1400] =	vst v32  }
0x41: {  	v39 =	vld [tilespmem:s16+$0x1810];
	v38 =	vmul.f32 $6.400000000e+01, v29;
	[tilespmem:s16+$0x1410] =	vst v34  }
0x42: {  	v41 =	vld [tilespmem:s16+$0x1820];
	v40 =	vmul.f32 $6.400000000e+01, v31;
	[tilespmem:s16+$0x1420] =	vst v36  }
0x43: {  	v43 =	vld [tilespmem:s16+$0x1830];
	v42 =	vmul.f32 $6.400000000e+01, v33;
	[tilespmem:s16+$0x1430] =	vst v38  }
0x44: {  	v45 =	vld [tilespmem:s16+$0x1850];
	v44 =	vmul.f32 $6.400000000e+01, v35;
	[tilespmem:s16+$0x1450] =	vst v40  }
0x45: {  	v47 =	vld [tilespmem:s16+$0x1860];
	v46 =	vmul.f32 $6.400000000e+01, v37;
	[tilespmem:s16+$0x1460] =	vst v42  }
0x46: {  	v49 =	vld [tilespmem:s16+$0x1870];
	v48 =	vmul.f32 $6.400000000e+01, v39;
	[tilespmem:s16+$0x1470] =	vst v44  }
0x47: {  	v51 =	vld [tilespmem:s16+$0x440];
	v4 =	vmul.f32 $6.400000000e+01, v41;
	[tilespmem:s16+$0x1800] =	vst v46  }
0x48: {  	v53 =	vld [tilespmem:s16+$0xC40];
	v5 =	vmul.f32 $6.400000000e+01, v43;
	[tilespmem:s16+$0x1810] =	vst v48  }
0x49: {  	v55 =	vld [tilespmem:s16+$0x1440];
	v6 =	vmul.f32 $6.400000000e+01, v45;
	[tilespmem:s16+$0x1820] =	vst v4  }
0x4a: {  	s23 =	sand.u32 $0x7, s12;
	v50 =	vld [tilespmem:s16+$0x40];
	v2 =	vmul.f32 $6.400000000e+01, v47;
	[tilespmem:s16+$0x1830] =	vst v5  }
0x4b: {  	s17 =	sshll.u32 s23, $0x7;
	v52 =	vld [tilespmem:s16+$0x840];
	v3 =	vmul.f32 $6.400000000e+01, v49;
	[tilespmem:s16+$0x1850] =	vst v6  }
0x4c: {  	s17 =	sadd.s32 s17, s14;
	v54 =	vld [tilespmem:s16+$0x1040];
	v1 =	vmul.f32 $6.400000000e+01, v51;
	[tilespmem:s16+$0x1860] =	vst v2  }
0x4d: {  	s18 =	sor.u32 $0x1C00, s17;
	v56 =	vld [tilespmem:s16+$0x1840];
	v59 =	vmul.f32 $6.400000000e+01, v53;
	[tilespmem:s16+$0x1870] =	vst v3  }
0x4e: {  	v61 =	vmul.f32 $6.400000000e+01, v55;
	[tilespmem:s16+$0x440] =	vst v1;
	v58 =	vld [tilespmem:s18+$0x0]  }
0x4f: {  	v0 =	vmul.f32 $6.400000000e+01, v50;
	[tilespmem:s16+$0xC40] =	vst v59  }
0x50: {  	v57 =	vmul.f32 $6.400000000e+01, v52;
	[tilespmem:s16+$0x1440] =	vst v61  }
0x51: {  	v60 =	vmul.f32 $6.400000000e+01, v54;
	[tilespmem:s16+$0x40] =	vst v0  }
0x52: {  	v62 =	vmul.f32 $6.400000000e+01, v56;
	[tilespmem:s16+$0x840] =	vst v57  }
0x53: {  	[tilespmem:s16+$0x1040] =	vst v60;
	v63 =	vmul.f32 $6.400000000e+01, v58  }
0x54: {  	[tilespmem:s16+$0x1840] =	vst v62  }
0x55: {  	s24 =	sor.u32 $0x1C10, s17;
	[tilespmem:s18+$0x0] =	vst v63  }
0x56: {  	v0 =	vld [tilespmem:s24+$0x0];
	_ =	sdelay $0x4  }
0x57: {  	v0 =	vmul.f32 $6.400000000e+01, v0;
	_ =	sdelay $0x1  }
0x58: {  	s25 =	sor.u32 $0x1C20, s17;
	[tilespmem:s24+$0x0] =	vst v0  }
0x59: {  	v0 =	vld [tilespmem:s25+$0x0];
	_ =	sdelay $0x4  }
0x5a: {  	v0 =	vmul.f32 $6.400000000e+01, v0;
	_ =	sdelay $0x1  }
0x5b: {  	s26 =	sor.u32 $0x1C30, s17;
	[tilespmem:s25+$0x0] =	vst v0  }
0x5c: {  	v0 =	vld [tilespmem:s26+$0x0];
	_ =	sdelay $0x4  }
0x5d: {  	v0 =	vmul.f32 $6.400000000e+01, v0;
	_ =	sdelay $0x1  }
0x5e: {  	s28 =	sor.u32 $0x1C40, s17;
	[tilespmem:s26+$0x0] =	vst v0  }
0x5f: {  	v0 =	vld [tilespmem:s28+$0x0];
	_ =	sdelay $0x4  }
0x60: {  	v0 =	vmul.f32 $6.400000000e+01, v0;
	_ =	sdelay $0x1  }
0x61: {  	s29 =	sor.u32 $0x1C50, s17;
	[tilespmem:s28+$0x0] =	vst v0  }
0x62: {  	v0 =	vld [tilespmem:s29+$0x0];
	_ =	sdelay $0x4  }
0x63: {  	v0 =	vmul.f32 $6.400000000e+01, v0;
	_ =	sdelay $0x1  }
0x64: {  	s30 =	sor.u32 $0x1C60, s17;
	[tilespmem:s29+$0x0] =	vst v0  }
0x65: {  	v0 =	vld [tilespmem:s30+$0x0];
	_ =	sdelay $0x4  }
0x66: {  	v0 =	vmul.f32 $6.400000000e+01, v0;
	_ =	sdelay $0x1  }
0x67: {  	s31 =	sor.u32 $0x1C70, s17;
	[tilespmem:s30+$0x0] =	vst v0  }
0x68: {  	v0 =	vld [tilespmem:s31+$0x0];
	_ =	sdelay $0x1  }
0x69: {  	p0 =	sne.s32 s15, $0x1380  }
.Ltmp0:
0x6a: {  	_ = 	snop;
	(pc) =	sbr.rel @p0 .LBB2_3-.Ltmp0, $4  }
0x6b: {  	_ = 	snop  }
0x6c: {  	v0 =	vmul.f32 $6.400000000e+01, v0  }
0x6d: {  	s12 =	sadd.s32 $0x1, s12  }
0x6e: {  	s13 =	sadd.s32 $0x400, s13;
	s15 =	sadd.s32 $0x80, s15;
	s14 =	sadd.s32 $0x400, s14;
	[tilespmem:s31+$0x0] =	vst v0  }
0x6f: {  	s10 =	sadd.s32 $0x1, s10  }
0x70: {  	p0 =	sne.s32 s10, s6  }
.Ltmp1:
0x71: {  	s11 =	sadd.s32 s3, s11;
	(pc) =	sbr.rel @p0 .LBB2_2-.Ltmp1, $4  }
0x72: {  	[hbm4b:s11+s4] =	stream.linear.scatter [tilespmem:s4], [sflag:$0x1], $0xA000, $0x38;
	[tilespmem:$0xA000] =	vst v63  }
0x73: {  	_ =	swait.ge [sflag:s8], $0xA000  }
0x74: {  	[sflag:s8] =	ssyncset.done $0x0  }
0x75: {  	[sflag:s8] =	ssyncadd.s32 $0xFFFF6000  }
0x76: {  	s9 =	sadd.s32 $0x1, s9  }
0x77: {  	p0 =	sne.s32 s9, s7  }
.Ltmp2:
0x78: {  	_ = 	snop;
	(pc) =	sbr.rel @p0 .LBB2_1-.Ltmp2, $1  }
0x79: {  	_ =	sdelay $0x3  }
0x7a: {  	_ =	sfence.sel $0x180000  }
0x7b: {  	[bflag:$0x0] =	sbarrier.arrive $0xFFFF  }
0x7c: {  	p0 =	sne.s32 s1, $0x0;
	_ =	strace $0x90000047  }
0x7d: {  	s0 =	sadd.s32 @!p0 $0x100000, s0;
	[bflag:$0x2] =	sbarrier.arrive $0xFFFF  }
0x7e: {  	[sflag:s0] =	ssyncadd.tile.s32 @!p0 $0x1;
	_ =	shalt  }
.Lfunc_end2:
_tile_overlayer_lowered:
.L_overlay_start_2:
0x7f: {  	(tag) =	ssettag $0x2  }
0x80: {  	s0 =	rddreg [dreg:$0x0];
	s2 =	stileid.u32  }
0x81: {  	s1 =	rddreg [dreg:$0x1];
	p0 =	sne.s32 s2, $0x0  }
0x82: {  	s3 =	rddreg [dreg:$0x2];
	[bflag:$0x3] =	sbarrier.arrive $0xFFFF;
	s2 =	simm.s32 @!p0 $0x1C01  }
0x83: {  	[timem:s3], [sflag:s2] =	dma.local @!p0 [hbm:s0], s1  }
0x84: {  	s0 =	simm.s32 @!p0 $0x1  }
0x85: {  	_ =	swait.ge @!p0 [sflag:s0], s1  }
0x86: {  	s1 =	ssub.s32 @!p0 $0x0, s1;
	[sflag:s0] =	ssyncset.done @!p0 $0x0  }
0x87: {  	[sflag:s0] =	ssyncadd.s32 @!p0 s1  }
0x88: {  	[bflag:$0x3] =	sbarrier.arrive $0xFFFF  }
0x89: {  	_ =	shalt  }

</sc_bundles>
